<compile_context>
chip_gen: v7x
topology: tpu7x:2x2x1
jax: 0.10.2.dev20260603
libtpu: 0.0.44.dev20260713+nightly
codegen_flags: <defaults>
</compile_context>

<pallas_src>
import functools

import jax
import jax.numpy as jnp
from jax import lax
from jax.experimental import pallas as pl
from jax.experimental.pallas import tpu as pltpu
from jax.experimental.pallas import tpu_sc as plsc

_D = 768
_NC = 2
_NS = 16
_NW = _NC * _NS
_CHUNK = 32
_NBUF = 4
_NIF = _NBUF - 2


@functools.lru_cache(maxsize=None)
def _embed_gather(total: int):
    per_w = total // _NW
    nchunk = per_w // _CHUNK
    ngroup = nchunk // _NBUF
    assert per_w * _NW == total and nchunk * _CHUNK == per_w
    assert ngroup * _NBUF == nchunk and ngroup >= 2

    mesh = plsc.VectorSubcoreMesh(
        core_axis_name="c", subcore_axis_name="s",
        num_cores=_NC, num_subcores=_NS)
    scratch = [pltpu.VMEM((nchunk, _CHUNK), jnp.int32)]
    scratch += [pltpu.VMEM((_CHUNK, _D), jnp.float32) for _ in range(_NBUF)]
    scratch += [pltpu.SemaphoreType.DMA for _ in range(2 * _NBUF)]

    @functools.partial(
        pl.kernel,
        mesh=mesh,
        out_type=jax.ShapeDtypeStruct((_NW, per_w, _D), jnp.float32),
        scratch_types=scratch,
    )
    def k(table_hbm, idx_hbm, out_hbm, idx_v, *bufs_and_sems):
        bufs = bufs_and_sems[:_NBUF]
        sem_in = bufs_and_sems[_NBUF:2 * _NBUF]
        sem_out = bufs_and_sems[2 * _NBUF:]
        wid = lax.axis_index("s") * _NC + lax.axis_index("c")

        pltpu.sync_copy(idx_hbm.at[wid], idx_v)

        def start_in(c, b):
            pltpu.make_async_copy(
                table_hbm.at[idx_v.at[c]], bufs[b], sem_in[b]).start()

        def wait_in(c, b):
            pltpu.make_async_copy(
                table_hbm.at[idx_v.at[c]], bufs[b], sem_in[b]).wait()

        def out_slice(c):
            return out_hbm.at[wid, pl.ds(c * _CHUNK, _CHUNK)]

        def start_out(c, b):
            pltpu.make_async_copy(bufs[b], out_slice(c), sem_out[b]).start()

        def wait_out(c, b):
            pltpu.make_async_copy(bufs[b], out_slice(c), sem_out[b]).wait()

        def step(c, b, do_wait_out, do_start_in):
            wait_in(c, b)
            start_out(c, b)
            if do_start_in:
                if do_wait_out:
                    wait_out(c - (_NBUF - _NIF), (b + _NIF) % _NBUF)
                start_in(c + _NIF, (b + _NIF) % _NBUF)

        for c in range(_NIF):
            start_in(c, c)

        for b in range(_NBUF):
            step(b, b,
                 do_wait_out=(b >= _NBUF - _NIF),
                 do_start_in=(b + _NIF < nchunk))

        def body(i, carry):
            c0 = i * _NBUF
            for b in range(_NBUF):
                step(c0 + b, b, True, True)
            return carry
        if ngroup > 2:
            lax.fori_loop(1, ngroup - 1, body, 0)

        c0 = (ngroup - 1) * _NBUF
        for b in range(_NBUF):
            c = c0 + b
            step(c, b, do_wait_out=True, do_start_in=(c + _NIF < nchunk))

        for c in range(nchunk - _NBUF, nchunk):
            wait_out(c, c % _NBUF)

    return k


def kernel(input_ids, table):
    b, l = input_ids.shape
    total = b * l
    idx3 = input_ids.reshape(_NW, total // (_NW * _CHUNK), _CHUNK)
    idx3 = idx3.astype(jnp.int32)
    out = _embed_gather(total)(table.astype(jnp.float32), idx3)
    return out.reshape(b, l, _D)

# --- scband reference (transcript-rebuilt; emitter-appended) ---
"""Pipeline reference for scband-token-embedding-84456236908796 (READ-ONLY COPY).

The authoritative reference and input builder live on the scoring server;
editing this copy changes nothing except your own understanding.
"""

import jax, jax.numpy as jnp
import numpy as np

VOCAB = 30522
EMBED_DIM = 768


def setup_inputs(seed: int = 0) -> dict:
    key = jax.random.key(seed)
    k_ids, k_tab = jax.random.split(key)
    input_ids = jax.random.randint(k_ids, (1024, 200), 0, VOCAB, dtype=jnp.int64 if jax.config.jax_enable_x64 else jnp.int32)
    table = jax.random.normal(k_tab, (VOCAB, EMBED_DIM), dtype=jnp.float32) * 0.02
    return {"input_ids": input_ids, "table": table}


def reference(input_ids, table):
    # nn.Embedding lookup: out[b, l, :] = table[input_ids[b, l], :]
    return jnp.take(table, input_ids, axis=0)

if __name__ == "__main__":
    import jax
    _d = setup_inputs()
    print(jax.jit(kernel)(*tuple(_d.values())))

</pallas_src>

<mosaic_0001>
#map = affine_map<(d0, d1) -> (0, 0)>
#map1 = affine_map<(d0, d1) -> (0, 0, 0)>
module attributes {stable_mosaic.version = 14 : i64} {
  func.func @k(%arg0: i32, %arg1: i32, %arg2: memref<30522x768xf32, #tpu.memory_space<hbm>>, %arg3: memref<32x200x32xi32, #tpu.memory_space<hbm>>, %arg4: memref<32x6400x768xf32, #tpu.memory_space<hbm>>, %arg5: memref<200x32xi32, #tpu.memory_space<vmem>>, %arg6: memref<32x768xf32, #tpu.memory_space<vmem>>, %arg7: memref<32x768xf32, #tpu.memory_space<vmem>>, %arg8: memref<32x768xf32, #tpu.memory_space<vmem>>, %arg9: memref<32x768xf32, #tpu.memory_space<vmem>>, %arg10: memref<!tpu.dma_semaphore, #tpu.memory_space<semaphore_mem>>, %arg11: memref<!tpu.dma_semaphore, #tpu.memory_space<semaphore_mem>>, %arg12: memref<!tpu.dma_semaphore, #tpu.memory_space<semaphore_mem>>, %arg13: memref<!tpu.dma_semaphore, #tpu.memory_space<semaphore_mem>>, %arg14: memref<!tpu.dma_semaphore, #tpu.memory_space<semaphore_mem>>, %arg15: memref<!tpu.dma_semaphore, #tpu.memory_space<semaphore_mem>>, %arg16: memref<!tpu.dma_semaphore, #tpu.memory_space<semaphore_mem>>, %arg17: memref<!tpu.dma_semaphore, #tpu.memory_space<semaphore_mem>>) attributes {dimension_semantics = [#tpu.dimension_semantics<core_parallel>, #tpu.dimension_semantics<subcore_parallel>], iteration_bounds = array<i64: 2, 16>, scalar_prefetch = 0 : i64, scratch_operands = 13 : i64, tpu.core_type = #tpu.core_type<sc_vector_subcore>, window_params = [{transform_indices = #map}, {transform_indices = #map1}, {transform_indices = #map1}]} {
    %mul3A = arith.constant 2 : i32
    %mul3A_0 = arith.muli %arg1, %mul3A : i32
    %add3A = arith.addi %mul3A_0, %arg0 : i32
    "tpu.region"() ({
      %run_scoped3A = tpu.sem_alloc : memref<!tpu.dma_semaphore, #tpu.memory_space<semaphore_mem>>
      %dma_start3A_244 = arith.constant 0 : i32
      %dma_start3A_245 = arith.constant 0 : i32
      %dma_start3A_246 = tpu.memref_slice %arg3[%add3A, %dma_start3A_244, %dma_start3A_245] : memref<32x200x32xi32, #tpu.memory_space<hbm>> -> memref<1x200x32xi32, #tpu.memory_space<hbm>>
      %dma_start3A_247 = tpu.memref_squeeze %dma_start3A_246 : memref<1x200x32xi32, #tpu.memory_space<hbm>> -> memref<200x32xi32, #tpu.memory_space<hbm>>
      %dma_start3A_248 = arith.constant 0 : i32
      %dma_start3A_249 = arith.constant 0 : i32
      %dma_start3A_250 = tpu.memref_slice %arg3[%add3A, %dma_start3A_248, %dma_start3A_249] : memref<32x200x32xi32, #tpu.memory_space<hbm>> -> memref<1x200x32xi32, #tpu.memory_space<hbm>>
      %dma_start3A_251 = tpu.memref_squeeze %dma_start3A_250 : memref<1x200x32xi32, #tpu.memory_space<hbm>> -> memref<200x32xi32, #tpu.memory_space<hbm>>
      tpu.enqueue_dma source(%dma_start3A_251 : memref<200x32xi32, #tpu.memory_space<hbm>>) target(%arg5 : memref<200x32xi32, #tpu.memory_space<vmem>>) target_semaphore(%run_scoped3A : memref<!tpu.dma_semaphore, #tpu.memory_space<semaphore_mem>>)
      %dma_wait3A_252 = arith.constant 0 : i32
      %dma_wait3A_253 = arith.constant 0 : i32
      %dma_wait3A_254 = tpu.memref_slice %arg3[%add3A, %dma_wait3A_252, %dma_wait3A_253] : memref<32x200x32xi32, #tpu.memory_space<hbm>> -> memref<1x200x32xi32, #tpu.memory_space<hbm>>
      %dma_wait3A_255 = tpu.memref_squeeze %dma_wait3A_254 : memref<1x200x32xi32, #tpu.memory_space<hbm>> -> memref<200x32xi32, #tpu.memory_space<hbm>>
      %dma_wait3A_256 = arith.constant 0 : i32
      %dma_wait3A_257 = arith.constant 0 : i32
      %dma_wait3A_258 = tpu.memref_slice %arg3[%add3A, %dma_wait3A_256, %dma_wait3A_257] : memref<32x200x32xi32, #tpu.memory_space<hbm>> -> memref<1x200x32xi32, #tpu.memory_space<hbm>>
      %dma_wait3A_259 = tpu.memref_squeeze %dma_wait3A_258 : memref<1x200x32xi32, #tpu.memory_space<hbm>> -> memref<200x32xi32, #tpu.memory_space<hbm>>
      tpu.wait_dma2 semaphore(%run_scoped3A : memref<!tpu.dma_semaphore, #tpu.memory_space<semaphore_mem>>) src(%dma_wait3A_259 : memref<200x32xi32, #tpu.memory_space<hbm>>) dst(%arg5 : memref<200x32xi32, #tpu.memory_space<vmem>>)
      tpu.yield
    }) : () -> ()
    %dma_start3A = arith.constant 0 : i32
    %dma_start3A_1 = arith.constant 0 : i32
    %dma_start3A_2 = tpu.memref_slice %arg5[%dma_start3A, %dma_start3A_1] : memref<200x32xi32, #tpu.memory_space<vmem>> -> memref<1x32xi32, #tpu.memory_space<vmem>>
    %dma_start3A_3 = tpu.memref_squeeze %dma_start3A_2 : memref<1x32xi32, #tpu.memory_space<vmem>> -> memref<32xi32, #tpu.memory_space<vmem>>
    %dma_start3A_4 = arith.constant 0 : i32
    %dma_start3A_5 = arith.constant 0 : i32
    %dma_start3A_6 = tpu.memref_slice %arg2[%dma_start3A_4, %dma_start3A_5] : memref<30522x768xf32, #tpu.memory_space<hbm>> -> memref<30522x768xf32, #tpu.memory_space<hbm>>
    tpu.enqueue_indirect_dma source(%dma_start3A_6 : memref<30522x768xf32, #tpu.memory_space<hbm>>) target(%arg6 : memref<32x768xf32, #tpu.memory_space<vmem>>) offsets(%dma_start3A_3 : memref<32xi32, #tpu.memory_space<vmem>>) semaphore(%arg10 : memref<!tpu.dma_semaphore, #tpu.memory_space<semaphore_mem>>)
    %dma_start3A_7 = arith.constant 1 : i32
    %dma_start3A_8 = arith.constant 0 : i32
    %dma_start3A_9 = tpu.memref_slice %arg5[%dma_start3A_7, %dma_start3A_8] : memref<200x32xi32, #tpu.memory_space<vmem>> -> memref<1x32xi32, #tpu.memory_space<vmem>>
    %dma_start3A_10 = tpu.memref_squeeze %dma_start3A_9 : memref<1x32xi32, #tpu.memory_space<vmem>> -> memref<32xi32, #tpu.memory_space<vmem>>
    %dma_start3A_11 = arith.constant 0 : i32
    %dma_start3A_12 = arith.constant 0 : i32
    %dma_start3A_13 = tpu.memref_slice %arg2[%dma_start3A_11, %dma_start3A_12] : memref<30522x768xf32, #tpu.memory_space<hbm>> -> memref<30522x768xf32, #tpu.memory_space<hbm>>
    tpu.enqueue_indirect_dma source(%dma_start3A_13 : memref<30522x768xf32, #tpu.memory_space<hbm>>) target(%arg7 : memref<32x768xf32, #tpu.memory_space<vmem>>) offsets(%dma_start3A_10 : memref<32xi32, #tpu.memory_space<vmem>>) semaphore(%arg11 : memref<!tpu.dma_semaphore, #tpu.memory_space<semaphore_mem>>)
    %dma_wait3A = arith.constant 0 : i32
    %dma_wait3A_14 = arith.constant 0 : i32
    %dma_wait3A_15 = tpu.memref_slice %arg5[%dma_wait3A, %dma_wait3A_14] : memref<200x32xi32, #tpu.memory_space<vmem>> -> memref<1x32xi32, #tpu.memory_space<vmem>>
    %dma_wait3A_16 = tpu.memref_squeeze %dma_wait3A_15 : memref<1x32xi32, #tpu.memory_space<vmem>> -> memref<32xi32, #tpu.memory_space<vmem>>
    %dma_wait3A_17 = arith.constant 0 : i32
    %dma_wait3A_18 = arith.constant 0 : i32
    %dma_wait3A_19 = tpu.memref_slice %arg2[%dma_wait3A_17, %dma_wait3A_18] : memref<30522x768xf32, #tpu.memory_space<hbm>> -> memref<30522x768xf32, #tpu.memory_space<hbm>>
    tpu.wait_indirect_dma semaphore(%arg10 : memref<!tpu.dma_semaphore, #tpu.memory_space<semaphore_mem>>) src(%dma_wait3A_19 : memref<30522x768xf32, #tpu.memory_space<hbm>>) dst(%arg6 : memref<32x768xf32, #tpu.memory_space<vmem>>)
    %dma_start3A_20 = arith.constant 0 : i32
    %dma_start3A_21 = arith.constant 0 : i32
    %dma_start3A_22 = tpu.memref_slice %arg4[%add3A, %dma_start3A_20, %dma_start3A_21] : memref<32x6400x768xf32, #tpu.memory_space<hbm>> -> memref<1x32x768xf32, #tpu.memory_space<hbm>>
    %dma_start3A_23 = tpu.memref_squeeze %dma_start3A_22 : memref<1x32x768xf32, #tpu.memory_space<hbm>> -> memref<32x768xf32, #tpu.memory_space<hbm>>
    %dma_start3A_24 = arith.constant 0 : i32
    %dma_start3A_25 = arith.constant 0 : i32
    %dma_start3A_26 = tpu.memref_slice %arg4[%add3A, %dma_start3A_24, %dma_start3A_25] : memref<32x6400x768xf32, #tpu.memory_space<hbm>> -> memref<1x32x768xf32, #tpu.memory_space<hbm>>
    %dma_start3A_27 = tpu.memref_squeeze %dma_start3A_26 : memref<1x32x768xf32, #tpu.memory_space<hbm>> -> memref<32x768xf32, #tpu.memory_space<hbm>>
    tpu.enqueue_dma source(%arg6 : memref<32x768xf32, #tpu.memory_space<vmem>>) target(%dma_start3A_27 : memref<32x768xf32, #tpu.memory_space<hbm>>) target_semaphore(%arg14 : memref<!tpu.dma_semaphore, #tpu.memory_space<semaphore_mem>>)
    %dma_start3A_28 = arith.constant 2 : i32
    %dma_start3A_29 = arith.constant 0 : i32
    %dma_start3A_30 = tpu.memref_slice %arg5[%dma_start3A_28, %dma_start3A_29] : memref<200x32xi32, #tpu.memory_space<vmem>> -> memref<1x32xi32, #tpu.memory_space<vmem>>
    %dma_start3A_31 = tpu.memref_squeeze %dma_start3A_30 : memref<1x32xi32, #tpu.memory_space<vmem>> -> memref<32xi32, #tpu.memory_space<vmem>>
    %dma_start3A_32 = arith.constant 0 : i32
    %dma_start3A_33 = arith.constant 0 : i32
    %dma_start3A_34 = tpu.memref_slice %arg2[%dma_start3A_32, %dma_start3A_33] : memref<30522x768xf32, #tpu.memory_space<hbm>> -> memref<30522x768xf32, #tpu.memory_space<hbm>>
    tpu.enqueue_indirect_dma source(%dma_start3A_34 : memref<30522x768xf32, #tpu.memory_space<hbm>>) target(%arg8 : memref<32x768xf32, #tpu.memory_space<vmem>>) offsets(%dma_start3A_31 : memref<32xi32, #tpu.memory_space<vmem>>) semaphore(%arg12 : memref<!tpu.dma_semaphore, #tpu.memory_space<semaphore_mem>>)
    %dma_wait3A_35 = arith.constant 1 : i32
    %dma_wait3A_36 = arith.constant 0 : i32
    %dma_wait3A_37 = tpu.memref_slice %arg5[%dma_wait3A_35, %dma_wait3A_36] : memref<200x32xi32, #tpu.memory_space<vmem>> -> memref<1x32xi32, #tpu.memory_space<vmem>>
    %dma_wait3A_38 = tpu.memref_squeeze %dma_wait3A_37 : memref<1x32xi32, #tpu.memory_space<vmem>> -> memref<32xi32, #tpu.memory_space<vmem>>
    %dma_wait3A_39 = arith.constant 0 : i32
    %dma_wait3A_40 = arith.constant 0 : i32
    %dma_wait3A_41 = tpu.memref_slice %arg2[%dma_wait3A_39, %dma_wait3A_40] : memref<30522x768xf32, #tpu.memory_space<hbm>> -> memref<30522x768xf32, #tpu.memory_space<hbm>>
    tpu.wait_indirect_dma semaphore(%arg11 : memref<!tpu.dma_semaphore, #tpu.memory_space<semaphore_mem>>) src(%dma_wait3A_41 : memref<30522x768xf32, #tpu.memory_space<hbm>>) dst(%arg7 : memref<32x768xf32, #tpu.memory_space<vmem>>)
    %dma_start3A_42 = arith.constant 32 : i32
    %dma_start3A_43 = arith.constant 0 : i32
    %dma_start3A_44 = tpu.memref_slice %arg4[%add3A, %dma_start3A_42, %dma_start3A_43] : memref<32x6400x768xf32, #tpu.memory_space<hbm>> -> memref<1x32x768xf32, #tpu.memory_space<hbm>>
    %dma_start3A_45 = tpu.memref_squeeze %dma_start3A_44 : memref<1x32x768xf32, #tpu.memory_space<hbm>> -> memref<32x768xf32, #tpu.memory_space<hbm>>
    %dma_start3A_46 = arith.constant 32 : i32
    %dma_start3A_47 = arith.constant 0 : i32
    %dma_start3A_48 = tpu.memref_slice %arg4[%add3A, %dma_start3A_46, %dma_start3A_47] : memref<32x6400x768xf32, #tpu.memory_space<hbm>> -> memref<1x32x768xf32, #tpu.memory_space<hbm>>
    %dma_start3A_49 = tpu.memref_squeeze %dma_start3A_48 : memref<1x32x768xf32, #tpu.memory_space<hbm>> -> memref<32x768xf32, #tpu.memory_space<hbm>>
    tpu.enqueue_dma source(%arg7 : memref<32x768xf32, #tpu.memory_space<vmem>>) target(%dma_start3A_49 : memref<32x768xf32, #tpu.memory_space<hbm>>) target_semaphore(%arg15 : memref<!tpu.dma_semaphore, #tpu.memory_space<semaphore_mem>>)
    %dma_start3A_50 = arith.constant 3 : i32
    %dma_start3A_51 = arith.constant 0 : i32
    %dma_start3A_52 = tpu.memref_slice %arg5[%dma_start3A_50, %dma_start3A_51] : memref<200x32xi32, #tpu.memory_space<vmem>> -> memref<1x32xi32, #tpu.memory_space<vmem>>
    %dma_start3A_53 = tpu.memref_squeeze %dma_start3A_52 : memref<1x32xi32, #tpu.memory_space<vmem>> -> memref<32xi32, #tpu.memory_space<vmem>>
    %dma_start3A_54 = arith.constant 0 : i32
    %dma_start3A_55 = arith.constant 0 : i32
    %dma_start3A_56 = tpu.memref_slice %arg2[%dma_start3A_54, %dma_start3A_55] : memref<30522x768xf32, #tpu.memory_space<hbm>> -> memref<30522x768xf32, #tpu.memory_space<hbm>>
    tpu.enqueue_indirect_dma source(%dma_start3A_56 : memref<30522x768xf32, #tpu.memory_space<hbm>>) target(%arg9 : memref<32x768xf32, #tpu.memory_space<vmem>>) offsets(%dma_start3A_53 : memref<32xi32, #tpu.memory_space<vmem>>) semaphore(%arg13 : memref<!tpu.dma_semaphore, #tpu.memory_space<semaphore_mem>>)
    %dma_wait3A_57 = arith.constant 2 : i32
    %dma_wait3A_58 = arith.constant 0 : i32
    %dma_wait3A_59 = tpu.memref_slice %arg5[%dma_wait3A_57, %dma_wait3A_58] : memref<200x32xi32, #tpu.memory_space<vmem>> -> memref<1x32xi32, #tpu.memory_space<vmem>>
    %dma_wait3A_60 = tpu.memref_squeeze %dma_wait3A_59 : memref<1x32xi32, #tpu.memory_space<vmem>> -> memref<32xi32, #tpu.memory_space<vmem>>
    %dma_wait3A_61 = arith.constant 0 : i32
    %dma_wait3A_62 = arith.constant 0 : i32
    %dma_wait3A_63 = tpu.memref_slice %arg2[%dma_wait3A_61, %dma_wait3A_62] : memref<30522x768xf32, #tpu.memory_space<hbm>> -> memref<30522x768xf32, #tpu.memory_space<hbm>>
    tpu.wait_indirect_dma semaphore(%arg12 : memref<!tpu.dma_semaphore, #tpu.memory_space<semaphore_mem>>) src(%dma_wait3A_63 : memref<30522x768xf32, #tpu.memory_space<hbm>>) dst(%arg8 : memref<32x768xf32, #tpu.memory_space<vmem>>)
    %dma_start3A_64 = arith.constant 64 : i32
    %dma_start3A_65 = arith.constant 0 : i32
    %dma_start3A_66 = tpu.memref_slice %arg4[%add3A, %dma_start3A_64, %dma_start3A_65] : memref<32x6400x768xf32, #tpu.memory_space<hbm>> -> memref<1x32x768xf32, #tpu.memory_space<hbm>>
    %dma_start3A_67 = tpu.memref_squeeze %dma_start3A_66 : memref<1x32x768xf32, #tpu.memory_space<hbm>> -> memref<32x768xf32, #tpu.memory_space<hbm>>
    %dma_start3A_68 = arith.constant 64 : i32
    %dma_start3A_69 = arith.constant 0 : i32
    %dma_start3A_70 = tpu.memref_slice %arg4[%add3A, %dma_start3A_68, %dma_start3A_69] : memref<32x6400x768xf32, #tpu.memory_space<hbm>> -> memref<1x32x768xf32, #tpu.memory_space<hbm>>
    %dma_start3A_71 = tpu.memref_squeeze %dma_start3A_70 : memref<1x32x768xf32, #tpu.memory_space<hbm>> -> memref<32x768xf32, #tpu.memory_space<hbm>>
    tpu.enqueue_dma source(%arg8 : memref<32x768xf32, #tpu.memory_space<vmem>>) target(%dma_start3A_71 : memref<32x768xf32, #tpu.memory_space<hbm>>) target_semaphore(%arg16 : memref<!tpu.dma_semaphore, #tpu.memory_space<semaphore_mem>>)
    %dma_wait3A_72 = arith.constant 0 : i32
    %dma_wait3A_73 = arith.constant 0 : i32
    %dma_wait3A_74 = tpu.memref_slice %arg4[%add3A, %dma_wait3A_72, %dma_wait3A_73] : memref<32x6400x768xf32, #tpu.memory_space<hbm>> -> memref<1x32x768xf32, #tpu.memory_space<hbm>>
    %dma_wait3A_75 = tpu.memref_squeeze %dma_wait3A_74 : memref<1x32x768xf32, #tpu.memory_space<hbm>> -> memref<32x768xf32, #tpu.memory_space<hbm>>
    %dma_wait3A_76 = arith.constant 0 : i32
    %dma_wait3A_77 = arith.constant 0 : i32
    %dma_wait3A_78 = tpu.memref_slice %arg4[%add3A, %dma_wait3A_76, %dma_wait3A_77] : memref<32x6400x768xf32, #tpu.memory_space<hbm>> -> memref<1x32x768xf32, #tpu.memory_space<hbm>>
    %dma_wait3A_79 = tpu.memref_squeeze %dma_wait3A_78 : memref<1x32x768xf32, #tpu.memory_space<hbm>> -> memref<32x768xf32, #tpu.memory_space<hbm>>
    tpu.wait_dma2 semaphore(%arg14 : memref<!tpu.dma_semaphore, #tpu.memory_space<semaphore_mem>>) src(%arg6 : memref<32x768xf32, #tpu.memory_space<vmem>>) dst(%dma_wait3A_79 : memref<32x768xf32, #tpu.memory_space<hbm>>)
    %dma_start3A_80 = arith.constant 4 : i32
    %dma_start3A_81 = arith.constant 0 : i32
    %dma_start3A_82 = tpu.memref_slice %arg5[%dma_start3A_80, %dma_start3A_81] : memref<200x32xi32, #tpu.memory_space<vmem>> -> memref<1x32xi32, #tpu.memory_space<vmem>>
    %dma_start3A_83 = tpu.memref_squeeze %dma_start3A_82 : memref<1x32xi32, #tpu.memory_space<vmem>> -> memref<32xi32, #tpu.memory_space<vmem>>
    %dma_start3A_84 = arith.constant 0 : i32
    %dma_start3A_85 = arith.constant 0 : i32
    %dma_start3A_86 = tpu.memref_slice %arg2[%dma_start3A_84, %dma_start3A_85] : memref<30522x768xf32, #tpu.memory_space<hbm>> -> memref<30522x768xf32, #tpu.memory_space<hbm>>
    tpu.enqueue_indirect_dma source(%dma_start3A_86 : memref<30522x768xf32, #tpu.memory_space<hbm>>) target(%arg6 : memref<32x768xf32, #tpu.memory_space<vmem>>) offsets(%dma_start3A_83 : memref<32xi32, #tpu.memory_space<vmem>>) semaphore(%arg10 : memref<!tpu.dma_semaphore, #tpu.memory_space<semaphore_mem>>)
    %dma_wait3A_87 = arith.constant 3 : i32
    %dma_wait3A_88 = arith.constant 0 : i32
    %dma_wait3A_89 = tpu.memref_slice %arg5[%dma_wait3A_87, %dma_wait3A_88] : memref<200x32xi32, #tpu.memory_space<vmem>> -> memref<1x32xi32, #tpu.memory_space<vmem>>
    %dma_wait3A_90 = tpu.memref_squeeze %dma_wait3A_89 : memref<1x32xi32, #tpu.memory_space<vmem>> -> memref<32xi32, #tpu.memory_space<vmem>>
    %dma_wait3A_91 = arith.constant 0 : i32
    %dma_wait3A_92 = arith.constant 0 : i32
    %dma_wait3A_93 = tpu.memref_slice %arg2[%dma_wait3A_91, %dma_wait3A_92] : memref<30522x768xf32, #tpu.memory_space<hbm>> -> memref<30522x768xf32, #tpu.memory_space<hbm>>
    tpu.wait_indirect_dma semaphore(%arg13 : memref<!tpu.dma_semaphore, #tpu.memory_space<semaphore_mem>>) src(%dma_wait3A_93 : memref<30522x768xf32, #tpu.memory_space<hbm>>) dst(%arg9 : memref<32x768xf32, #tpu.memory_space<vmem>>)
    %dma_start3A_94 = arith.constant 96 : i32
    %dma_start3A_95 = arith.constant 0 : i32
    %dma_start3A_96 = tpu.memref_slice %arg4[%add3A, %dma_start3A_94, %dma_start3A_95] : memref<32x6400x768xf32, #tpu.memory_space<hbm>> -> memref<1x32x768xf32, #tpu.memory_space<hbm>>
    %dma_start3A_97 = tpu.memref_squeeze %dma_start3A_96 : memref<1x32x768xf32, #tpu.memory_space<hbm>> -> memref<32x768xf32, #tpu.memory_space<hbm>>
    %dma_start3A_98 = arith.constant 96 : i32
    %dma_start3A_99 = arith.constant 0 : i32
    %dma_start3A_100 = tpu.memref_slice %arg4[%add3A, %dma_start3A_98, %dma_start3A_99] : memref<32x6400x768xf32, #tpu.memory_space<hbm>> -> memref<1x32x768xf32, #tpu.memory_space<hbm>>
    %dma_start3A_101 = tpu.memref_squeeze %dma_start3A_100 : memref<1x32x768xf32, #tpu.memory_space<hbm>> -> memref<32x768xf32, #tpu.memory_space<hbm>>
    tpu.enqueue_dma source(%arg9 : memref<32x768xf32, #tpu.memory_space<vmem>>) target(%dma_start3A_101 : memref<32x768xf32, #tpu.memory_space<hbm>>) target_semaphore(%arg17 : memref<!tpu.dma_semaphore, #tpu.memory_space<semaphore_mem>>)
    %dma_wait3A_102 = arith.constant 32 : i32
    %dma_wait3A_103 = arith.constant 0 : i32
    %dma_wait3A_104 = tpu.memref_slice %arg4[%add3A, %dma_wait3A_102, %dma_wait3A_103] : memref<32x6400x768xf32, #tpu.memory_space<hbm>> -> memref<1x32x768xf32, #tpu.memory_space<hbm>>
    %dma_wait3A_105 = tpu.memref_squeeze %dma_wait3A_104 : memref<1x32x768xf32, #tpu.memory_space<hbm>> -> memref<32x768xf32, #tpu.memory_space<hbm>>
    %dma_wait3A_106 = arith.constant 32 : i32
    %dma_wait3A_107 = arith.constant 0 : i32
    %dma_wait3A_108 = tpu.memref_slice %arg4[%add3A, %dma_wait3A_106, %dma_wait3A_107] : memref<32x6400x768xf32, #tpu.memory_space<hbm>> -> memref<1x32x768xf32, #tpu.memory_space<hbm>>
    %dma_wait3A_109 = tpu.memref_squeeze %dma_wait3A_108 : memref<1x32x768xf32, #tpu.memory_space<hbm>> -> memref<32x768xf32, #tpu.memory_space<hbm>>
    tpu.wait_dma2 semaphore(%arg15 : memref<!tpu.dma_semaphore, #tpu.memory_space<semaphore_mem>>) src(%arg7 : memref<32x768xf32, #tpu.memory_space<vmem>>) dst(%dma_wait3A_109 : memref<32x768xf32, #tpu.memory_space<hbm>>)
    %dma_start3A_110 = arith.constant 5 : i32
    %dma_start3A_111 = arith.constant 0 : i32
    %dma_start3A_112 = tpu.memref_slice %arg5[%dma_start3A_110, %dma_start3A_111] : memref<200x32xi32, #tpu.memory_space<vmem>> -> memref<1x32xi32, #tpu.memory_space<vmem>>
    %dma_start3A_113 = tpu.memref_squeeze %dma_start3A_112 : memref<1x32xi32, #tpu.memory_space<vmem>> -> memref<32xi32, #tpu.memory_space<vmem>>
    %dma_start3A_114 = arith.constant 0 : i32
    %dma_start3A_115 = arith.constant 0 : i32
    %dma_start3A_116 = tpu.memref_slice %arg2[%dma_start3A_114, %dma_start3A_115] : memref<30522x768xf32, #tpu.memory_space<hbm>> -> memref<30522x768xf32, #tpu.memory_space<hbm>>
    tpu.enqueue_indirect_dma source(%dma_start3A_116 : memref<30522x768xf32, #tpu.memory_space<hbm>>) target(%arg7 : memref<32x768xf32, #tpu.memory_space<vmem>>) offsets(%dma_start3A_113 : memref<32xi32, #tpu.memory_space<vmem>>) semaphore(%arg11 : memref<!tpu.dma_semaphore, #tpu.memory_space<semaphore_mem>>)
    %scan3A = arith.constant 0 : i32
    %scan3A_117 = arith.constant 1 : i32
    %scan3A_118 = arith.constant 48 : i32
    %scan3A_119 = arith.addi %scan3A_117, %scan3A_118 : i32
    %scan3A_120 = arith.constant 1 : i32
    scf.for %scan3A_244 = %scan3A_117 to %scan3A_119 step %scan3A_120  : i32 {
      %mul3A_245 = arith.constant 4 : i32
      %mul3A_246 = arith.muli %scan3A_244, %mul3A_245 : i32
      %add3A_247 = arith.constant 0 : i32
      %add3A_248 = arith.addi %mul3A_246, %add3A_247 : i32
      %dma_wait3A_249 = arith.constant 0 : i32
      %dma_wait3A_250 = tpu.memref_slice %arg5[%add3A_248, %dma_wait3A_249] : memref<200x32xi32, #tpu.memory_space<vmem>> -> memref<1x32xi32, #tpu.memory_space<vmem>>
      %dma_wait3A_251 = tpu.memref_squeeze %dma_wait3A_250 : memref<1x32xi32, #tpu.memory_space<vmem>> -> memref<32xi32, #tpu.memory_space<vmem>>
      %dma_wait3A_252 = arith.constant 0 : i32
      %dma_wait3A_253 = arith.constant 0 : i32
      %dma_wait3A_254 = tpu.memref_slice %arg2[%dma_wait3A_252, %dma_wait3A_253] : memref<30522x768xf32, #tpu.memory_space<hbm>> -> memref<30522x768xf32, #tpu.memory_space<hbm>>
      tpu.wait_indirect_dma semaphore(%arg10 : memref<!tpu.dma_semaphore, #tpu.memory_space<semaphore_mem>>) src(%dma_wait3A_254 : memref<30522x768xf32, #tpu.memory_space<hbm>>) dst(%arg6 : memref<32x768xf32, #tpu.memory_space<vmem>>)
      %mul3A_255 = arith.constant 32 : i32
      %mul3A_256 = arith.muli %add3A_248, %mul3A_255 : i32
      %dma_start3A_257 = arith.constant 0 : i32
      %dma_start3A_258 = tpu.memref_slice %arg4[%add3A, %mul3A_256, %dma_start3A_257] : memref<32x6400x768xf32, #tpu.memory_space<hbm>> -> memref<1x32x768xf32, #tpu.memory_space<hbm>>
      %dma_start3A_259 = tpu.memref_squeeze %dma_start3A_258 : memref<1x32x768xf32, #tpu.memory_space<hbm>> -> memref<32x768xf32, #tpu.memory_space<hbm>>
      %dma_start3A_260 = arith.constant 0 : i32
      %dma_start3A_261 = tpu.memref_slice %arg4[%add3A, %mul3A_256, %dma_start3A_260] : memref<32x6400x768xf32, #tpu.memory_space<hbm>> -> memref<1x32x768xf32, #tpu.memory_space<hbm>>
      %dma_start3A_262 = tpu.memref_squeeze %dma_start3A_261 : memref<1x32x768xf32, #tpu.memory_space<hbm>> -> memref<32x768xf32, #tpu.memory_space<hbm>>
      tpu.enqueue_dma source(%arg6 : memref<32x768xf32, #tpu.memory_space<vmem>>) target(%dma_start3A_262 : memref<32x768xf32, #tpu.memory_space<hbm>>) target_semaphore(%arg14 : memref<!tpu.dma_semaphore, #tpu.memory_space<semaphore_mem>>)
      %sub3A = arith.constant 2 : i32
      %sub3A_263 = arith.subi %add3A_248, %sub3A : i32
      %mul3A_264 = arith.constant 32 : i32
      %mul3A_265 = arith.muli %sub3A_263, %mul3A_264 : i32
      %dma_wait3A_266 = arith.constant 0 : i32
      %dma_wait3A_267 = tpu.memref_slice %arg4[%add3A, %mul3A_265, %dma_wait3A_266] : memref<32x6400x768xf32, #tpu.memory_space<hbm>> -> memref<1x32x768xf32, #tpu.memory_space<hbm>>
      %dma_wait3A_268 = tpu.memref_squeeze %dma_wait3A_267 : memref<1x32x768xf32, #tpu.memory_space<hbm>> -> memref<32x768xf32, #tpu.memory_space<hbm>>
      %dma_wait3A_269 = arith.constant 0 : i32
      %dma_wait3A_270 = tpu.memref_slice %arg4[%add3A, %mul3A_265, %dma_wait3A_269] : memref<32x6400x768xf32, #tpu.memory_space<hbm>> -> memref<1x32x768xf32, #tpu.memory_space<hbm>>
      %dma_wait3A_271 = tpu.memref_squeeze %dma_wait3A_270 : memref<1x32x768xf32, #tpu.memory_space<hbm>> -> memref<32x768xf32, #tpu.memory_space<hbm>>
      tpu.wait_dma2 semaphore(%arg16 : memref<!tpu.dma_semaphore, #tpu.memory_space<semaphore_mem>>) src(%arg8 : memref<32x768xf32, #tpu.memory_space<vmem>>) dst(%dma_wait3A_271 : memref<32x768xf32, #tpu.memory_space<hbm>>)
      %add3A_272 = arith.constant 2 : i32
      %add3A_273 = arith.addi %add3A_248, %add3A_272 : i32
      %dma_start3A_274 = arith.constant 0 : i32
      %dma_start3A_275 = tpu.memref_slice %arg5[%add3A_273, %dma_start3A_274] : memref<200x32xi32, #tpu.memory_space<vmem>> -> memref<1x32xi32, #tpu.memory_space<vmem>>
      %dma_start3A_276 = tpu.memref_squeeze %dma_start3A_275 : memref<1x32xi32, #tpu.memory_space<vmem>> -> memref<32xi32, #tpu.memory_space<vmem>>
      %dma_start3A_277 = arith.constant 0 : i32
      %dma_start3A_278 = arith.constant 0 : i32
      %dma_start3A_279 = tpu.memref_slice %arg2[%dma_start3A_277, %dma_start3A_278] : memref<30522x768xf32, #tpu.memory_space<hbm>> -> memref<30522x768xf32, #tpu.memory_space<hbm>>
      tpu.enqueue_indirect_dma source(%dma_start3A_279 : memref<30522x768xf32, #tpu.memory_space<hbm>>) target(%arg8 : memref<32x768xf32, #tpu.memory_space<vmem>>) offsets(%dma_start3A_276 : memref<32xi32, #tpu.memory_space<vmem>>) semaphore(%arg12 : memref<!tpu.dma_semaphore, #tpu.memory_space<semaphore_mem>>)
      %add3A_280 = arith.constant 1 : i32
      %add3A_281 = arith.addi %mul3A_246, %add3A_280 : i32
      %dma_wait3A_282 = arith.constant 0 : i32
      %dma_wait3A_283 = tpu.memref_slice %arg5[%add3A_281, %dma_wait3A_282] : memref<200x32xi32, #tpu.memory_space<vmem>> -> memref<1x32xi32, #tpu.memory_space<vmem>>
      %dma_wait3A_284 = tpu.memref_squeeze %dma_wait3A_283 : memref<1x32xi32, #tpu.memory_space<vmem>> -> memref<32xi32, #tpu.memory_space<vmem>>
      %dma_wait3A_285 = arith.constant 0 : i32
      %dma_wait3A_286 = arith.constant 0 : i32
      %dma_wait3A_287 = tpu.memref_slice %arg2[%dma_wait3A_285, %dma_wait3A_286] : memref<30522x768xf32, #tpu.memory_space<hbm>> -> memref<30522x768xf32, #tpu.memory_space<hbm>>
      tpu.wait_indirect_dma semaphore(%arg11 : memref<!tpu.dma_semaphore, #tpu.memory_space<semaphore_mem>>) src(%dma_wait3A_287 : memref<30522x768xf32, #tpu.memory_space<hbm>>) dst(%arg7 : memref<32x768xf32, #tpu.memory_space<vmem>>)
      %mul3A_288 = arith.constant 32 : i32
      %mul3A_289 = arith.muli %add3A_281, %mul3A_288 : i32
      %dma_start3A_290 = arith.constant 0 : i32
      %dma_start3A_291 = tpu.memref_slice %arg4[%add3A, %mul3A_289, %dma_start3A_290] : memref<32x6400x768xf32, #tpu.memory_space<hbm>> -> memref<1x32x768xf32, #tpu.memory_space<hbm>>
      %dma_start3A_292 = tpu.memref_squeeze %dma_start3A_291 : memref<1x32x768xf32, #tpu.memory_space<hbm>> -> memref<32x768xf32, #tpu.memory_space<hbm>>
      %dma_start3A_293 = arith.constant 0 : i32
      %dma_start3A_294 = tpu.memref_slice %arg4[%add3A, %mul3A_289, %dma_start3A_293] : memref<32x6400x768xf32, #tpu.memory_space<hbm>> -> memref<1x32x768xf32, #tpu.memory_space<hbm>>
      %dma_start3A_295 = tpu.memref_squeeze %dma_start3A_294 : memref<1x32x768xf32, #tpu.memory_space<hbm>> -> memref<32x768xf32, #tpu.memory_space<hbm>>
      tpu.enqueue_dma source(%arg7 : memref<32x768xf32, #tpu.memory_space<vmem>>) target(%dma_start3A_295 : memref<32x768xf32, #tpu.memory_space<hbm>>) target_semaphore(%arg15 : memref<!tpu.dma_semaphore, #tpu.memory_space<semaphore_mem>>)
      %sub3A_296 = arith.constant 2 : i32
      %sub3A_297 = arith.subi %add3A_281, %sub3A_296 : i32
      %mul3A_298 = arith.constant 32 : i32
      %mul3A_299 = arith.muli %sub3A_297, %mul3A_298 : i32
      %dma_wait3A_300 = arith.constant 0 : i32
      %dma_wait3A_301 = tpu.memref_slice %arg4[%add3A, %mul3A_299, %dma_wait3A_300] : memref<32x6400x768xf32, #tpu.memory_space<hbm>> -> memref<1x32x768xf32, #tpu.memory_space<hbm>>
      %dma_wait3A_302 = tpu.memref_squeeze %dma_wait3A_301 : memref<1x32x768xf32, #tpu.memory_space<hbm>> -> memref<32x768xf32, #tpu.memory_space<hbm>>
      %dma_wait3A_303 = arith.constant 0 : i32
      %dma_wait3A_304 = tpu.memref_slice %arg4[%add3A, %mul3A_299, %dma_wait3A_303] : memref<32x6400x768xf32, #tpu.memory_space<hbm>> -> memref<1x32x768xf32, #tpu.memory_space<hbm>>
      %dma_wait3A_305 = tpu.memref_squeeze %dma_wait3A_304 : memref<1x32x768xf32, #tpu.memory_space<hbm>> -> memref<32x768xf32, #tpu.memory_space<hbm>>
      tpu.wait_dma2 semaphore(%arg17 : memref<!tpu.dma_semaphore, #tpu.memory_space<semaphore_mem>>) src(%arg9 : memref<32x768xf32, #tpu.memory_space<vmem>>) dst(%dma_wait3A_305 : memref<32x768xf32, #tpu.memory_space<hbm>>)
      %add3A_306 = arith.constant 2 : i32
      %add3A_307 = arith.addi %add3A_281, %add3A_306 : i32
      %dma_start3A_308 = arith.constant 0 : i32
      %dma_start3A_309 = tpu.memref_slice %arg5[%add3A_307, %dma_start3A_308] : memref<200x32xi32, #tpu.memory_space<vmem>> -> memref<1x32xi32, #tpu.memory_space<vmem>>
      %dma_start3A_310 = tpu.memref_squeeze %dma_start3A_309 : memref<1x32xi32, #tpu.memory_space<vmem>> -> memref<32xi32, #tpu.memory_space<vmem>>
      %dma_start3A_311 = arith.constant 0 : i32
      %dma_start3A_312 = arith.constant 0 : i32
      %dma_start3A_313 = tpu.memref_slice %arg2[%dma_start3A_311, %dma_start3A_312] : memref<30522x768xf32, #tpu.memory_space<hbm>> -> memref<30522x768xf32, #tpu.memory_space<hbm>>
      tpu.enqueue_indirect_dma source(%dma_start3A_313 : memref<30522x768xf32, #tpu.memory_space<hbm>>) target(%arg9 : memref<32x768xf32, #tpu.memory_space<vmem>>) offsets(%dma_start3A_310 : memref<32xi32, #tpu.memory_space<vmem>>) semaphore(%arg13 : memref<!tpu.dma_semaphore, #tpu.memory_space<semaphore_mem>>)
      %add3A_314 = arith.constant 2 : i32
      %add3A_315 = arith.addi %mul3A_246, %add3A_314 : i32
      %dma_wait3A_316 = arith.constant 0 : i32
      %dma_wait3A_317 = tpu.memref_slice %arg5[%add3A_315, %dma_wait3A_316] : memref<200x32xi32, #tpu.memory_space<vmem>> -> memref<1x32xi32, #tpu.memory_space<vmem>>
      %dma_wait3A_318 = tpu.memref_squeeze %dma_wait3A_317 : memref<1x32xi32, #tpu.memory_space<vmem>> -> memref<32xi32, #tpu.memory_space<vmem>>
      %dma_wait3A_319 = arith.constant 0 : i32
      %dma_wait3A_320 = arith.constant 0 : i32
      %dma_wait3A_321 = tpu.memref_slice %arg2[%dma_wait3A_319, %dma_wait3A_320] : memref<30522x768xf32, #tpu.memory_space<hbm>> -> memref<30522x768xf32, #tpu.memory_space<hbm>>
      tpu.wait_indirect_dma semaphore(%arg12 : memref<!tpu.dma_semaphore, #tpu.memory_space<semaphore_mem>>) src(%dma_wait3A_321 : memref<30522x768xf32, #tpu.memory_space<hbm>>) dst(%arg8 : memref<32x768xf32, #tpu.memory_space<vmem>>)
      %mul3A_322 = arith.constant 32 : i32
      %mul3A_323 = arith.muli %add3A_315, %mul3A_322 : i32
      %dma_start3A_324 = arith.constant 0 : i32
      %dma_start3A_325 = tpu.memref_slice %arg4[%add3A, %mul3A_323, %dma_start3A_324] : memref<32x6400x768xf32, #tpu.memory_space<hbm>> -> memref<1x32x768xf32, #tpu.memory_space<hbm>>
      %dma_start3A_326 = tpu.memref_squeeze %dma_start3A_325 : memref<1x32x768xf32, #tpu.memory_space<hbm>> -> memref<32x768xf32, #tpu.memory_space<hbm>>
      %dma_start3A_327 = arith.constant 0 : i32
      %dma_start3A_328 = tpu.memref_slice %arg4[%add3A, %mul3A_323, %dma_start3A_327] : memref<32x6400x768xf32, #tpu.memory_space<hbm>> -> memref<1x32x768xf32, #tpu.memory_space<hbm>>
      %dma_start3A_329 = tpu.memref_squeeze %dma_start3A_328 : memref<1x32x768xf32, #tpu.memory_space<hbm>> -> memref<32x768xf32, #tpu.memory_space<hbm>>
      tpu.enqueue_dma source(%arg8 : memref<32x768xf32, #tpu.memory_space<vmem>>) target(%dma_start3A_329 : memref<32x768xf32, #tpu.memory_space<hbm>>) target_semaphore(%arg16 : memref<!tpu.dma_semaphore, #tpu.memory_space<semaphore_mem>>)
      %sub3A_330 = arith.constant 2 : i32
      %sub3A_331 = arith.subi %add3A_315, %sub3A_330 : i32
      %mul3A_332 = arith.constant 32 : i32
      %mul3A_333 = arith.muli %sub3A_331, %mul3A_332 : i32
      %dma_wait3A_334 = arith.constant 0 : i32
      %dma_wait3A_335 = tpu.memref_slice %arg4[%add3A, %mul3A_333, %dma_wait3A_334] : memref<32x6400x768xf32, #tpu.memory_space<hbm>> -> memref<1x32x768xf32, #tpu.memory_space<hbm>>
      %dma_wait3A_336 = tpu.memref_squeeze %dma_wait3A_335 : memref<1x32x768xf32, #tpu.memory_space<hbm>> -> memref<32x768xf32, #tpu.memory_space<hbm>>
      %dma_wait3A_337 = arith.constant 0 : i32
      %dma_wait3A_338 = tpu.memref_slice %arg4[%add3A, %mul3A_333, %dma_wait3A_337] : memref<32x6400x768xf32, #tpu.memory_space<hbm>> -> memref<1x32x768xf32, #tpu.memory_space<hbm>>
      %dma_wait3A_339 = tpu.memref_squeeze %dma_wait3A_338 : memref<1x32x768xf32, #tpu.memory_space<hbm>> -> memref<32x768xf32, #tpu.memory_space<hbm>>
      tpu.wait_dma2 semaphore(%arg14 : memref<!tpu.dma_semaphore, #tpu.memory_space<semaphore_mem>>) src(%arg6 : memref<32x768xf32, #tpu.memory_space<vmem>>) dst(%dma_wait3A_339 : memref<32x768xf32, #tpu.memory_space<hbm>>)
      %add3A_340 = arith.constant 2 : i32
      %add3A_341 = arith.addi %add3A_315, %add3A_340 : i32
      %dma_start3A_342 = arith.constant 0 : i32
      %dma_start3A_343 = tpu.memref_slice %arg5[%add3A_341, %dma_start3A_342] : memref<200x32xi32, #tpu.memory_space<vmem>> -> memref<1x32xi32, #tpu.memory_space<vmem>>
      %dma_start3A_344 = tpu.memref_squeeze %dma_start3A_343 : memref<1x32xi32, #tpu.memory_space<vmem>> -> memref<32xi32, #tpu.memory_space<vmem>>
      %dma_start3A_345 = arith.constant 0 : i32
      %dma_start3A_346 = arith.constant 0 : i32
      %dma_start3A_347 = tpu.memref_slice %arg2[%dma_start3A_345, %dma_start3A_346] : memref<30522x768xf32, #tpu.memory_space<hbm>> -> memref<30522x768xf32, #tpu.memory_space<hbm>>
      tpu.enqueue_indirect_dma source(%dma_start3A_347 : memref<30522x768xf32, #tpu.memory_space<hbm>>) target(%arg6 : memref<32x768xf32, #tpu.memory_space<vmem>>) offsets(%dma_start3A_344 : memref<32xi32, #tpu.memory_space<vmem>>) semaphore(%arg10 : memref<!tpu.dma_semaphore, #tpu.memory_space<semaphore_mem>>)
      %add3A_348 = arith.constant 3 : i32
      %add3A_349 = arith.addi %mul3A_246, %add3A_348 : i32
      %dma_wait3A_350 = arith.constant 0 : i32
      %dma_wait3A_351 = tpu.memref_slice %arg5[%add3A_349, %dma_wait3A_350] : memref<200x32xi32, #tpu.memory_space<vmem>> -> memref<1x32xi32, #tpu.memory_space<vmem>>
      %dma_wait3A_352 = tpu.memref_squeeze %dma_wait3A_351 : memref<1x32xi32, #tpu.memory_space<vmem>> -> memref<32xi32, #tpu.memory_space<vmem>>
      %dma_wait3A_353 = arith.constant 0 : i32
      %dma_wait3A_354 = arith.constant 0 : i32
      %dma_wait3A_355 = tpu.memref_slice %arg2[%dma_wait3A_353, %dma_wait3A_354] : memref<30522x768xf32, #tpu.memory_space<hbm>> -> memref<30522x768xf32, #tpu.memory_space<hbm>>
      tpu.wait_indirect_dma semaphore(%arg13 : memref<!tpu.dma_semaphore, #tpu.memory_space<semaphore_mem>>) src(%dma_wait3A_355 : memref<30522x768xf32, #tpu.memory_space<hbm>>) dst(%arg9 : memref<32x768xf32, #tpu.memory_space<vmem>>)
      %mul3A_356 = arith.constant 32 : i32
      %mul3A_357 = arith.muli %add3A_349, %mul3A_356 : i32
      %dma_start3A_358 = arith.constant 0 : i32
      %dma_start3A_359 = tpu.memref_slice %arg4[%add3A, %mul3A_357, %dma_start3A_358] : memref<32x6400x768xf32, #tpu.memory_space<hbm>> -> memref<1x32x768xf32, #tpu.memory_space<hbm>>
      %dma_start3A_360 = tpu.memref_squeeze %dma_start3A_359 : memref<1x32x768xf32, #tpu.memory_space<hbm>> -> memref<32x768xf32, #tpu.memory_space<hbm>>
      %dma_start3A_361 = arith.constant 0 : i32
      %dma_start3A_362 = tpu.memref_slice %arg4[%add3A, %mul3A_357, %dma_start3A_361] : memref<32x6400x768xf32, #tpu.memory_space<hbm>> -> memref<1x32x768xf32, #tpu.memory_space<hbm>>
      %dma_start3A_363 = tpu.memref_squeeze %dma_start3A_362 : memref<1x32x768xf32, #tpu.memory_space<hbm>> -> memref<32x768xf32, #tpu.memory_space<hbm>>
      tpu.enqueue_dma source(%arg9 : memref<32x768xf32, #tpu.memory_space<vmem>>) target(%dma_start3A_363 : memref<32x768xf32, #tpu.memory_space<hbm>>) target_semaphore(%arg17 : memref<!tpu.dma_semaphore, #tpu.memory_space<semaphore_mem>>)
      %sub3A_364 = arith.constant 2 : i32
      %sub3A_365 = arith.subi %add3A_349, %sub3A_364 : i32
      %mul3A_366 = arith.constant 32 : i32
      %mul3A_367 = arith.muli %sub3A_365, %mul3A_366 : i32
      %dma_wait3A_368 = arith.constant 0 : i32
      %dma_wait3A_369 = tpu.memref_slice %arg4[%add3A, %mul3A_367, %dma_wait3A_368] : memref<32x6400x768xf32, #tpu.memory_space<hbm>> -> memref<1x32x768xf32, #tpu.memory_space<hbm>>
      %dma_wait3A_370 = tpu.memref_squeeze %dma_wait3A_369 : memref<1x32x768xf32, #tpu.memory_space<hbm>> -> memref<32x768xf32, #tpu.memory_space<hbm>>
      %dma_wait3A_371 = arith.constant 0 : i32
      %dma_wait3A_372 = tpu.memref_slice %arg4[%add3A, %mul3A_367, %dma_wait3A_371] : memref<32x6400x768xf32, #tpu.memory_space<hbm>> -> memref<1x32x768xf32, #tpu.memory_space<hbm>>
      %dma_wait3A_373 = tpu.memref_squeeze %dma_wait3A_372 : memref<1x32x768xf32, #tpu.memory_space<hbm>> -> memref<32x768xf32, #tpu.memory_space<hbm>>
      tpu.wait_dma2 semaphore(%arg15 : memref<!tpu.dma_semaphore, #tpu.memory_space<semaphore_mem>>) src(%arg7 : memref<32x768xf32, #tpu.memory_space<vmem>>) dst(%dma_wait3A_373 : memref<32x768xf32, #tpu.memory_space<hbm>>)
      %add3A_374 = arith.constant 2 : i32
      %add3A_375 = arith.addi %add3A_349, %add3A_374 : i32
      %dma_start3A_376 = arith.constant 0 : i32
      %dma_start3A_377 = tpu.memref_slice %arg5[%add3A_375, %dma_start3A_376] : memref<200x32xi32, #tpu.memory_space<vmem>> -> memref<1x32xi32, #tpu.memory_space<vmem>>
      %dma_start3A_378 = tpu.memref_squeeze %dma_start3A_377 : memref<1x32xi32, #tpu.memory_space<vmem>> -> memref<32xi32, #tpu.memory_space<vmem>>
      %dma_start3A_379 = arith.constant 0 : i32
      %dma_start3A_380 = arith.constant 0 : i32
      %dma_start3A_381 = tpu.memref_slice %arg2[%dma_start3A_379, %dma_start3A_380] : memref<30522x768xf32, #tpu.memory_space<hbm>> -> memref<30522x768xf32, #tpu.memory_space<hbm>>
      tpu.enqueue_indirect_dma source(%dma_start3A_381 : memref<30522x768xf32, #tpu.memory_space<hbm>>) target(%arg7 : memref<32x768xf32, #tpu.memory_space<vmem>>) offsets(%dma_start3A_378 : memref<32xi32, #tpu.memory_space<vmem>>) semaphore(%arg11 : memref<!tpu.dma_semaphore, #tpu.memory_space<semaphore_mem>>)
    }
    %scan3A_121 = arith.constant 48 : i32
    %dma_wait3A_122 = arith.constant 196 : i32
    %dma_wait3A_123 = arith.constant 0 : i32
    %dma_wait3A_124 = tpu.memref_slice %arg5[%dma_wait3A_122, %dma_wait3A_123] : memref<200x32xi32, #tpu.memory_space<vmem>> -> memref<1x32xi32, #tpu.memory_space<vmem>>
    %dma_wait3A_125 = tpu.memref_squeeze %dma_wait3A_124 : memref<1x32xi32, #tpu.memory_space<vmem>> -> memref<32xi32, #tpu.memory_space<vmem>>
    %dma_wait3A_126 = arith.constant 0 : i32
    %dma_wait3A_127 = arith.constant 0 : i32
    %dma_wait3A_128 = tpu.memref_slice %arg2[%dma_wait3A_126, %dma_wait3A_127] : memref<30522x768xf32, #tpu.memory_space<hbm>> -> memref<30522x768xf32, #tpu.memory_space<hbm>>
    tpu.wait_indirect_dma semaphore(%arg10 : memref<!tpu.dma_semaphore, #tpu.memory_space<semaphore_mem>>) src(%dma_wait3A_128 : memref<30522x768xf32, #tpu.memory_space<hbm>>) dst(%arg6 : memref<32x768xf32, #tpu.memory_space<vmem>>)
    %dma_start3A_129 = arith.constant 6272 : i32
    %dma_start3A_130 = arith.constant 0 : i32
    %dma_start3A_131 = tpu.memref_slice %arg4[%add3A, %dma_start3A_129, %dma_start3A_130] : memref<32x6400x768xf32, #tpu.memory_space<hbm>> -> memref<1x32x768xf32, #tpu.memory_space<hbm>>
    %dma_start3A_132 = tpu.memref_squeeze %dma_start3A_131 : memref<1x32x768xf32, #tpu.memory_space<hbm>> -> memref<32x768xf32, #tpu.memory_space<hbm>>
    %dma_start3A_133 = arith.constant 6272 : i32
    %dma_start3A_134 = arith.constant 0 : i32
    %dma_start3A_135 = tpu.memref_slice %arg4[%add3A, %dma_start3A_133, %dma_start3A_134] : memref<32x6400x768xf32, #tpu.memory_space<hbm>> -> memref<1x32x768xf32, #tpu.memory_space<hbm>>
    %dma_start3A_136 = tpu.memref_squeeze %dma_start3A_135 : memref<1x32x768xf32, #tpu.memory_space<hbm>> -> memref<32x768xf32, #tpu.memory_space<hbm>>
    tpu.enqueue_dma source(%arg6 : memref<32x768xf32, #tpu.memory_space<vmem>>) target(%dma_start3A_136 : memref<32x768xf32, #tpu.memory_space<hbm>>) target_semaphore(%arg14 : memref<!tpu.dma_semaphore, #tpu.memory_space<semaphore_mem>>)
    %dma_wait3A_137 = arith.constant 6208 : i32
    %dma_wait3A_138 = arith.constant 0 : i32
    %dma_wait3A_139 = tpu.memref_slice %arg4[%add3A, %dma_wait3A_137, %dma_wait3A_138] : memref<32x6400x768xf32, #tpu.memory_space<hbm>> -> memref<1x32x768xf32, #tpu.memory_space<hbm>>
    %dma_wait3A_140 = tpu.memref_squeeze %dma_wait3A_139 : memref<1x32x768xf32, #tpu.memory_space<hbm>> -> memref<32x768xf32, #tpu.memory_space<hbm>>
    %dma_wait3A_141 = arith.constant 6208 : i32
    %dma_wait3A_142 = arith.constant 0 : i32
    %dma_wait3A_143 = tpu.memref_slice %arg4[%add3A, %dma_wait3A_141, %dma_wait3A_142] : memref<32x6400x768xf32, #tpu.memory_space<hbm>> -> memref<1x32x768xf32, #tpu.memory_space<hbm>>
    %dma_wait3A_144 = tpu.memref_squeeze %dma_wait3A_143 : memref<1x32x768xf32, #tpu.memory_space<hbm>> -> memref<32x768xf32, #tpu.memory_space<hbm>>
    tpu.wait_dma2 semaphore(%arg16 : memref<!tpu.dma_semaphore, #tpu.memory_space<semaphore_mem>>) src(%arg8 : memref<32x768xf32, #tpu.memory_space<vmem>>) dst(%dma_wait3A_144 : memref<32x768xf32, #tpu.memory_space<hbm>>)
    %dma_start3A_145 = arith.constant 198 : i32
    %dma_start3A_146 = arith.constant 0 : i32
    %dma_start3A_147 = tpu.memref_slice %arg5[%dma_start3A_145, %dma_start3A_146] : memref<200x32xi32, #tpu.memory_space<vmem>> -> memref<1x32xi32, #tpu.memory_space<vmem>>
    %dma_start3A_148 = tpu.memref_squeeze %dma_start3A_147 : memref<1x32xi32, #tpu.memory_space<vmem>> -> memref<32xi32, #tpu.memory_space<vmem>>
    %dma_start3A_149 = arith.constant 0 : i32
    %dma_start3A_150 = arith.constant 0 : i32
    %dma_start3A_151 = tpu.memref_slice %arg2[%dma_start3A_149, %dma_start3A_150] : memref<30522x768xf32, #tpu.memory_space<hbm>> -> memref<30522x768xf32, #tpu.memory_space<hbm>>
    tpu.enqueue_indirect_dma source(%dma_start3A_151 : memref<30522x768xf32, #tpu.memory_space<hbm>>) target(%arg8 : memref<32x768xf32, #tpu.memory_space<vmem>>) offsets(%dma_start3A_148 : memref<32xi32, #tpu.memory_space<vmem>>) semaphore(%arg12 : memref<!tpu.dma_semaphore, #tpu.memory_space<semaphore_mem>>)
    %dma_wait3A_152 = arith.constant 197 : i32
    %dma_wait3A_153 = arith.constant 0 : i32
    %dma_wait3A_154 = tpu.memref_slice %arg5[%dma_wait3A_152, %dma_wait3A_153] : memref<200x32xi32, #tpu.memory_space<vmem>> -> memref<1x32xi32, #tpu.memory_space<vmem>>
    %dma_wait3A_155 = tpu.memref_squeeze %dma_wait3A_154 : memref<1x32xi32, #tpu.memory_space<vmem>> -> memref<32xi32, #tpu.memory_space<vmem>>
    %dma_wait3A_156 = arith.constant 0 : i32
    %dma_wait3A_157 = arith.constant 0 : i32
    %dma_wait3A_158 = tpu.memref_slice %arg2[%dma_wait3A_156, %dma_wait3A_157] : memref<30522x768xf32, #tpu.memory_space<hbm>> -> memref<30522x768xf32, #tpu.memory_space<hbm>>
    tpu.wait_indirect_dma semaphore(%arg11 : memref<!tpu.dma_semaphore, #tpu.memory_space<semaphore_mem>>) src(%dma_wait3A_158 : memref<30522x768xf32, #tpu.memory_space<hbm>>) dst(%arg7 : memref<32x768xf32, #tpu.memory_space<vmem>>)
    %dma_start3A_159 = arith.constant 6304 : i32
    %dma_start3A_160 = arith.constant 0 : i32
    %dma_start3A_161 = tpu.memref_slice %arg4[%add3A, %dma_start3A_159, %dma_start3A_160] : memref<32x6400x768xf32, #tpu.memory_space<hbm>> -> memref<1x32x768xf32, #tpu.memory_space<hbm>>
    %dma_start3A_162 = tpu.memref_squeeze %dma_start3A_161 : memref<1x32x768xf32, #tpu.memory_space<hbm>> -> memref<32x768xf32, #tpu.memory_space<hbm>>
    %dma_start3A_163 = arith.constant 6304 : i32
    %dma_start3A_164 = arith.constant 0 : i32
    %dma_start3A_165 = tpu.memref_slice %arg4[%add3A, %dma_start3A_163, %dma_start3A_164] : memref<32x6400x768xf32, #tpu.memory_space<hbm>> -> memref<1x32x768xf32, #tpu.memory_space<hbm>>
    %dma_start3A_166 = tpu.memref_squeeze %dma_start3A_165 : memref<1x32x768xf32, #tpu.memory_space<hbm>> -> memref<32x768xf32, #tpu.memory_space<hbm>>
    tpu.enqueue_dma source(%arg7 : memref<32x768xf32, #tpu.memory_space<vmem>>) target(%dma_start3A_166 : memref<32x768xf32, #tpu.memory_space<hbm>>) target_semaphore(%arg15 : memref<!tpu.dma_semaphore, #tpu.memory_space<semaphore_mem>>)
    %dma_wait3A_167 = arith.constant 6240 : i32
    %dma_wait3A_168 = arith.constant 0 : i32
    %dma_wait3A_169 = tpu.memref_slice %arg4[%add3A, %dma_wait3A_167, %dma_wait3A_168] : memref<32x6400x768xf32, #tpu.memory_space<hbm>> -> memref<1x32x768xf32, #tpu.memory_space<hbm>>
    %dma_wait3A_170 = tpu.memref_squeeze %dma_wait3A_169 : memref<1x32x768xf32, #tpu.memory_space<hbm>> -> memref<32x768xf32, #tpu.memory_space<hbm>>
    %dma_wait3A_171 = arith.constant 6240 : i32
    %dma_wait3A_172 = arith.constant 0 : i32
    %dma_wait3A_173 = tpu.memref_slice %arg4[%add3A, %dma_wait3A_171, %dma_wait3A_172] : memref<32x6400x768xf32, #tpu.memory_space<hbm>> -> memref<1x32x768xf32, #tpu.memory_space<hbm>>
    %dma_wait3A_174 = tpu.memref_squeeze %dma_wait3A_173 : memref<1x32x768xf32, #tpu.memory_space<hbm>> -> memref<32x768xf32, #tpu.memory_space<hbm>>
    tpu.wait_dma2 semaphore(%arg17 : memref<!tpu.dma_semaphore, #tpu.memory_space<semaphore_mem>>) src(%arg9 : memref<32x768xf32, #tpu.memory_space<vmem>>) dst(%dma_wait3A_174 : memref<32x768xf32, #tpu.memory_space<hbm>>)
    %dma_start3A_175 = arith.constant 199 : i32
    %dma_start3A_176 = arith.constant 0 : i32
    %dma_start3A_177 = tpu.memref_slice %arg5[%dma_start3A_175, %dma_start3A_176] : memref<200x32xi32, #tpu.memory_space<vmem>> -> memref<1x32xi32, #tpu.memory_space<vmem>>
    %dma_start3A_178 = tpu.memref_squeeze %dma_start3A_177 : memref<1x32xi32, #tpu.memory_space<vmem>> -> memref<32xi32, #tpu.memory_space<vmem>>
    %dma_start3A_179 = arith.constant 0 : i32
    %dma_start3A_180 = arith.constant 0 : i32
    %dma_start3A_181 = tpu.memref_slice %arg2[%dma_start3A_179, %dma_start3A_180] : memref<30522x768xf32, #tpu.memory_space<hbm>> -> memref<30522x768xf32, #tpu.memory_space<hbm>>
    tpu.enqueue_indirect_dma source(%dma_start3A_181 : memref<30522x768xf32, #tpu.memory_space<hbm>>) target(%arg9 : memref<32x768xf32, #tpu.memory_space<vmem>>) offsets(%dma_start3A_178 : memref<32xi32, #tpu.memory_space<vmem>>) semaphore(%arg13 : memref<!tpu.dma_semaphore, #tpu.memory_space<semaphore_mem>>)
    %dma_wait3A_182 = arith.constant 198 : i32
    %dma_wait3A_183 = arith.constant 0 : i32
    %dma_wait3A_184 = tpu.memref_slice %arg5[%dma_wait3A_182, %dma_wait3A_183] : memref<200x32xi32, #tpu.memory_space<vmem>> -> memref<1x32xi32, #tpu.memory_space<vmem>>
    %dma_wait3A_185 = tpu.memref_squeeze %dma_wait3A_184 : memref<1x32xi32, #tpu.memory_space<vmem>> -> memref<32xi32, #tpu.memory_space<vmem>>
    %dma_wait3A_186 = arith.constant 0 : i32
    %dma_wait3A_187 = arith.constant 0 : i32
    %dma_wait3A_188 = tpu.memref_slice %arg2[%dma_wait3A_186, %dma_wait3A_187] : memref<30522x768xf32, #tpu.memory_space<hbm>> -> memref<30522x768xf32, #tpu.memory_space<hbm>>
    tpu.wait_indirect_dma semaphore(%arg12 : memref<!tpu.dma_semaphore, #tpu.memory_space<semaphore_mem>>) src(%dma_wait3A_188 : memref<30522x768xf32, #tpu.memory_space<hbm>>) dst(%arg8 : memref<32x768xf32, #tpu.memory_space<vmem>>)
    %dma_start3A_189 = arith.constant 6336 : i32
    %dma_start3A_190 = arith.constant 0 : i32
    %dma_start3A_191 = tpu.memref_slice %arg4[%add3A, %dma_start3A_189, %dma_start3A_190] : memref<32x6400x768xf32, #tpu.memory_space<hbm>> -> memref<1x32x768xf32, #tpu.memory_space<hbm>>
    %dma_start3A_192 = tpu.memref_squeeze %dma_start3A_191 : memref<1x32x768xf32, #tpu.memory_space<hbm>> -> memref<32x768xf32, #tpu.memory_space<hbm>>
    %dma_start3A_193 = arith.constant 6336 : i32
    %dma_start3A_194 = arith.constant 0 : i32
    %dma_start3A_195 = tpu.memref_slice %arg4[%add3A, %dma_start3A_193, %dma_start3A_194] : memref<32x6400x768xf32, #tpu.memory_space<hbm>> -> memref<1x32x768xf32, #tpu.memory_space<hbm>>
    %dma_start3A_196 = tpu.memref_squeeze %dma_start3A_195 : memref<1x32x768xf32, #tpu.memory_space<hbm>> -> memref<32x768xf32, #tpu.memory_space<hbm>>
    tpu.enqueue_dma source(%arg8 : memref<32x768xf32, #tpu.memory_space<vmem>>) target(%dma_start3A_196 : memref<32x768xf32, #tpu.memory_space<hbm>>) target_semaphore(%arg16 : memref<!tpu.dma_semaphore, #tpu.memory_space<semaphore_mem>>)
    %dma_wait3A_197 = arith.constant 199 : i32
    %dma_wait3A_198 = arith.constant 0 : i32
    %dma_wait3A_199 = tpu.memref_slice %arg5[%dma_wait3A_197, %dma_wait3A_198] : memref<200x32xi32, #tpu.memory_space<vmem>> -> memref<1x32xi32, #tpu.memory_space<vmem>>
    %dma_wait3A_200 = tpu.memref_squeeze %dma_wait3A_199 : memref<1x32xi32, #tpu.memory_space<vmem>> -> memref<32xi32, #tpu.memory_space<vmem>>
    %dma_wait3A_201 = arith.constant 0 : i32
    %dma_wait3A_202 = arith.constant 0 : i32
    %dma_wait3A_203 = tpu.memref_slice %arg2[%dma_wait3A_201, %dma_wait3A_202] : memref<30522x768xf32, #tpu.memory_space<hbm>> -> memref<30522x768xf32, #tpu.memory_space<hbm>>
    tpu.wait_indirect_dma semaphore(%arg13 : memref<!tpu.dma_semaphore, #tpu.memory_space<semaphore_mem>>) src(%dma_wait3A_203 : memref<30522x768xf32, #tpu.memory_space<hbm>>) dst(%arg9 : memref<32x768xf32, #tpu.memory_space<vmem>>)
    %dma_start3A_204 = arith.constant 6368 : i32
    %dma_start3A_205 = arith.constant 0 : i32
    %dma_start3A_206 = tpu.memref_slice %arg4[%add3A, %dma_start3A_204, %dma_start3A_205] : memref<32x6400x768xf32, #tpu.memory_space<hbm>> -> memref<1x32x768xf32, #tpu.memory_space<hbm>>
    %dma_start3A_207 = tpu.memref_squeeze %dma_start3A_206 : memref<1x32x768xf32, #tpu.memory_space<hbm>> -> memref<32x768xf32, #tpu.memory_space<hbm>>
    %dma_start3A_208 = arith.constant 6368 : i32
    %dma_start3A_209 = arith.constant 0 : i32
    %dma_start3A_210 = tpu.memref_slice %arg4[%add3A, %dma_start3A_208, %dma_start3A_209] : memref<32x6400x768xf32, #tpu.memory_space<hbm>> -> memref<1x32x768xf32, #tpu.memory_space<hbm>>
    %dma_start3A_211 = tpu.memref_squeeze %dma_start3A_210 : memref<1x32x768xf32, #tpu.memory_space<hbm>> -> memref<32x768xf32, #tpu.memory_space<hbm>>
    tpu.enqueue_dma source(%arg9 : memref<32x768xf32, #tpu.memory_space<vmem>>) target(%dma_start3A_211 : memref<32x768xf32, #tpu.memory_space<hbm>>) target_semaphore(%arg17 : memref<!tpu.dma_semaphore, #tpu.memory_space<semaphore_mem>>)
    %dma_wait3A_212 = arith.constant 6272 : i32
    %dma_wait3A_213 = arith.constant 0 : i32
    %dma_wait3A_214 = tpu.memref_slice %arg4[%add3A, %dma_wait3A_212, %dma_wait3A_213] : memref<32x6400x768xf32, #tpu.memory_space<hbm>> -> memref<1x32x768xf32, #tpu.memory_space<hbm>>
    %dma_wait3A_215 = tpu.memref_squeeze %dma_wait3A_214 : memref<1x32x768xf32, #tpu.memory_space<hbm>> -> memref<32x768xf32, #tpu.memory_space<hbm>>
    %dma_wait3A_216 = arith.constant 6272 : i32
    %dma_wait3A_217 = arith.constant 0 : i32
    %dma_wait3A_218 = tpu.memref_slice %arg4[%add3A, %dma_wait3A_216, %dma_wait3A_217] : memref<32x6400x768xf32, #tpu.memory_space<hbm>> -> memref<1x32x768xf32, #tpu.memory_space<hbm>>
    %dma_wait3A_219 = tpu.memref_squeeze %dma_wait3A_218 : memref<1x32x768xf32, #tpu.memory_space<hbm>> -> memref<32x768xf32, #tpu.memory_space<hbm>>
    tpu.wait_dma2 semaphore(%arg14 : memref<!tpu.dma_semaphore, #tpu.memory_space<semaphore_mem>>) src(%arg6 : memref<32x768xf32, #tpu.memory_space<vmem>>) dst(%dma_wait3A_219 : memref<32x768xf32, #tpu.memory_space<hbm>>)
    %dma_wait3A_220 = arith.constant 6304 : i32
    %dma_wait3A_221 = arith.constant 0 : i32
    %dma_wait3A_222 = tpu.memref_slice %arg4[%add3A, %dma_wait3A_220, %dma_wait3A_221] : memref<32x6400x768xf32, #tpu.memory_space<hbm>> -> memref<1x32x768xf32, #tpu.memory_space<hbm>>
    %dma_wait3A_223 = tpu.memref_squeeze %dma_wait3A_222 : memref<1x32x768xf32, #tpu.memory_space<hbm>> -> memref<32x768xf32, #tpu.memory_space<hbm>>
    %dma_wait3A_224 = arith.constant 6304 : i32
    %dma_wait3A_225 = arith.constant 0 : i32
    %dma_wait3A_226 = tpu.memref_slice %arg4[%add3A, %dma_wait3A_224, %dma_wait3A_225] : memref<32x6400x768xf32, #tpu.memory_space<hbm>> -> memref<1x32x768xf32, #tpu.memory_space<hbm>>
    %dma_wait3A_227 = tpu.memref_squeeze %dma_wait3A_226 : memref<1x32x768xf32, #tpu.memory_space<hbm>> -> memref<32x768xf32, #tpu.memory_space<hbm>>
    tpu.wait_dma2 semaphore(%arg15 : memref<!tpu.dma_semaphore, #tpu.memory_space<semaphore_mem>>) src(%arg7 : memref<32x768xf32, #tpu.memory_space<vmem>>) dst(%dma_wait3A_227 : memref<32x768xf32, #tpu.memory_space<hbm>>)
    %dma_wait3A_228 = arith.constant 6336 : i32
    %dma_wait3A_229 = arith.constant 0 : i32
    %dma_wait3A_230 = tpu.memref_slice %arg4[%add3A, %dma_wait3A_228, %dma_wait3A_229] : memref<32x6400x768xf32, #tpu.memory_space<hbm>> -> memref<1x32x768xf32, #tpu.memory_space<hbm>>
    %dma_wait3A_231 = tpu.memref_squeeze %dma_wait3A_230 : memref<1x32x768xf32, #tpu.memory_space<hbm>> -> memref<32x768xf32, #tpu.memory_space<hbm>>
    %dma_wait3A_232 = arith.constant 6336 : i32
    %dma_wait3A_233 = arith.constant 0 : i32
    %dma_wait3A_234 = tpu.memref_slice %arg4[%add3A, %dma_wait3A_232, %dma_wait3A_233] : memref<32x6400x768xf32, #tpu.memory_space<hbm>> -> memref<1x32x768xf32, #tpu.memory_space<hbm>>
    %dma_wait3A_235 = tpu.memref_squeeze %dma_wait3A_234 : memref<1x32x768xf32, #tpu.memory_space<hbm>> -> memref<32x768xf32, #tpu.memory_space<hbm>>
    tpu.wait_dma2 semaphore(%arg16 : memref<!tpu.dma_semaphore, #tpu.memory_space<semaphore_mem>>) src(%arg8 : memref<32x768xf32, #tpu.memory_space<vmem>>) dst(%dma_wait3A_235 : memref<32x768xf32, #tpu.memory_space<hbm>>)
    %dma_wait3A_236 = arith.constant 6368 : i32
    %dma_wait3A_237 = arith.constant 0 : i32
    %dma_wait3A_238 = tpu.memref_slice %arg4[%add3A, %dma_wait3A_236, %dma_wait3A_237] : memref<32x6400x768xf32, #tpu.memory_space<hbm>> -> memref<1x32x768xf32, #tpu.memory_space<hbm>>
    %dma_wait3A_239 = tpu.memref_squeeze %dma_wait3A_238 : memref<1x32x768xf32, #tpu.memory_space<hbm>> -> memref<32x768xf32, #tpu.memory_space<hbm>>
    %dma_wait3A_240 = arith.constant 6368 : i32
    %dma_wait3A_241 = arith.constant 0 : i32
    %dma_wait3A_242 = tpu.memref_slice %arg4[%add3A, %dma_wait3A_240, %dma_wait3A_241] : memref<32x6400x768xf32, #tpu.memory_space<hbm>> -> memref<1x32x768xf32, #tpu.memory_space<hbm>>
    %dma_wait3A_243 = tpu.memref_squeeze %dma_wait3A_242 : memref<1x32x768xf32, #tpu.memory_space<hbm>> -> memref<32x768xf32, #tpu.memory_space<hbm>>
    tpu.wait_dma2 semaphore(%arg17 : memref<!tpu.dma_semaphore, #tpu.memory_space<semaphore_mem>>) src(%arg9 : memref<32x768xf32, #tpu.memory_space<vmem>>) dst(%dma_wait3A_243 : memref<32x768xf32, #tpu.memory_space<hbm>>)
    return
  }
}

</mosaic_0001>

<sc_bundles>
// kernel: kernel.3.cloned.1.call-start
scs
__scs_entry_jumppad:
0x0: {  	(pc) =	sbr.rel $0x88, $3  }
0x1: {  	(tag) =	ssettag $0x0;
	lr =	simm.s32 $0x1  }
0x2: {  	[smem:$0x3F9F] =	sst lr;
	_ =	strace $0xD0000000  }
0x3: {  	_ = 	snop  }
0x4: {  	_ = 	snop  }
0x5: {  	_ = 	snop  }
0x6: {  	_ = 	snop  }
0x7: {  	_ = 	snop  }
__scs_overlays_trampoline_lowered:
0x8: {  	[smem:$0x3FAE] =	sst s0  }
0x9: {  	[smem:$0x3FAF] =	sst s1  }
0xa: {  	[smem:$0x3FB0] =	sst s2  }
0xb: {  	[smem:$0x3FB1] =	sst s3  }
0xc: {  	[smem:$0x3FB2] =	sst s4  }
0xd: {  	[smem:$0x3FB3] =	sst s5  }
0xe: {  	[smem:$0x3FB4] =	sst s6  }
0xf: {  	[smem:$0x3FB5] =	sst s7  }
0x10: {  	[smem:$0x3FB6] =	sst s8  }
0x11: {  	[smem:$0x3FB7] =	sst s9;
	s0 =	simm.s32 @!p0 $0x0  }
0x12: {  	s1 =	sld [smem:$0x3F9D];
	s0 =	simm.s32 @p0 $0x1  }
0x13: {  	[smem:$0x3FB8] =	sst s0;
	s0 =	simm.s32 @!p1 $0x0  }
0x14: {  	s2 =	sld [smem:$0x3F9C];
	s0 =	simm.s32 @p1 $0x1  }
0x15: {  	[smem:$0x3FB9] =	sst s0;
	s0 =	simm.s32 @!p2 $0x0  }
0x16: {  	s3 =	sld [smem:$0x3FDB];
	s0 =	simm.s32 @p2 $0x1  }
0x17: {  	s4 =	simm.s32 $0x1BF5;
	[smem:$0x3FBB] =	sst s0  }
0x18: {  	s0 =	sld [smem:$0x3F9E];
	_ =	swait.ge [sflag:s4], $0x0  }
0x19: {  	s7 =	sld [smem:$0x3F9F]  }
0x1a: {  	s8 =	sadd.s32 $0xFFFFE003, lr  }
0x1b: {  	s9 =	sadd.s32 $0xFFFFFEF7, lr;
	s5 =	simm.s32 $0xFFFFFFFF;
	p2 =	slt.u32 s8, $0xFFFFF086  }
0x1c: {  	p1 =	slt.u32 s9, $0xF7A;
	s5 =	simm.s32 @!p2 $0x0  }
0x1d: {  	s5 =	simm.s32 @p1 $0x1;
	p0 =	seq.s32 s7, s2  }
0x1e: {  	s7 =	smul.u32 @!p0 $0xF7A, s2;
	p2 =	seq.s32 @!p0 s5, $0x0  }
0x1f: {  	s9 =	smul.u32 $0xF7A, s1;
	s8 =	simm.s32 @!p0 $0x1BF5;
	p2 =	por !p2, p0  }
0x20: {  	[sflag:s8] =	ssyncset.s32 @!p0 $0xFFFFF086;
	s6 =	sadd.s32 @!p0 s3, s7;
	s7 =	simm.s32 @!p0 $0x108  }
0x21: {  	s3 =	sadd.s32 s3, s9;
	s6 =	sadd.s32 @!p0 $0x88, s6;
	s7 =	simm.s32 @p2 $0x1082  }
0x22: {  	[simem:s7], [sflag:s8] =	dma.local @!p0 [hbm:s6], $0xF7A  }
0x23: {  	s9 =	sor.u32 $0xD0000000, s2;
	s6 =	simm.s32 $0x108;
	_ =	swait.ge @!p0 [sflag:s8], $0x0  }
0x24: {  	s3 =	sadd.s32 $0x88, s3;
	s6 =	simm.s32 @!p1 $0x1082;
	[sflag:s4] =	ssyncset.s32 $0xFFFFF086  }
0x25: {  	[simem:s6], [sflag:s4] =	dma.local [hbm:s3], $0xF7A  }
0x26: {  	[smem:$0x3F9F] =	sst s1;
	(tag) =	ssettag s2;
	_ =	strace s9  }
0x27: {  	s1 =	sld [smem:$0x3FAF]  }
0x28: {  	s2 =	sld [smem:$0x3FB0]  }
0x29: {  	s4 =	sld [smem:$0x3FB2]  }
0x2a: {  	p0 =	seq.s32 s5, $0x0;
	s5 =	sld [smem:$0x3FB3]  }
0x2b: {  	s6 =	sld [smem:$0x3FB4]  }
0x2c: {  	s7 =	sld [smem:$0x3FB5]  }
0x2d: {  	s3 =	simm.s32 $0x108;
	s8 =	sld [smem:$0x3FB6]  }
0x2e: {  	s3 =	simm.s32 @!p0 $0x1082;
	s9 =	sld [smem:$0x3FB7]  }
0x2f: {  	lr =	sadd.s32 s0, s3;
	s0 =	sld [smem:$0x3FAE]  }
0x30: {  	s3 =	sld [smem:$0x3FB1]  }
0x31: {  	[smem:$0x3FBA] =	sst s10  }
0x32: {  	s10 =	sld [smem:$0x3FB8];
	_ =	sdelay $0x3  }
0x33: {  	p0 =	seq.s32 s10, $0x1;
	s10 =	sld [smem:$0x3FBA];
	_ =	sdelay $0x3  }
0x34: {  	[smem:$0x3FBA] =	sst s10  }
0x35: {  	s10 =	sld [smem:$0x3FB9];
	_ =	sdelay $0x3  }
0x36: {  	p1 =	seq.s32 s10, $0x1;
	s10 =	sld [smem:$0x3FBA];
	_ =	sdelay $0x3  }
0x37: {  	[smem:$0x3FBA] =	sst s10  }
0x38: {  	s10 =	sld [smem:$0x3FBB]  }
0x39: {  	_ = 	snop;
	(pc) =	sbr.ind lr, $3  }
0x3a: {  	_ = 	snop  }
0x3b: {  	_ = 	snop  }
0x3c: {  	p2 =	seq.s32 s10, $0x1;
	s10 =	sld [smem:$0x3FBA]  }
0x3d: {  	_ =	shalt  }
0x3e: {  	_ =	shalt  }
0x3f: {  	_ =	shalt  }
0x40: {  	_ =	shalt  }
0x41: {  	_ =	shalt  }
0x42: {  	_ =	shalt  }
0x43: {  	_ =	shalt  }
0x44: {  	_ =	shalt  }
0x45: {  	_ =	shalt  }
0x46: {  	_ =	shalt  }
0x47: {  	_ =	shalt  }
0x48: {  	_ =	shalt  }
0x49: {  	_ =	shalt  }
0x4a: {  	_ =	shalt  }
0x4b: {  	_ =	shalt  }
0x4c: {  	_ =	shalt  }
0x4d: {  	_ =	shalt  }
0x4e: {  	_ =	shalt  }
0x4f: {  	_ =	shalt  }
0x50: {  	_ =	shalt  }
0x51: {  	_ =	shalt  }
0x52: {  	_ =	shalt  }
0x53: {  	_ =	shalt  }
0x54: {  	_ =	shalt  }
0x55: {  	_ =	shalt  }
0x56: {  	_ =	shalt  }
0x57: {  	_ =	shalt  }
0x58: {  	_ =	shalt  }
0x59: {  	_ =	shalt  }
0x5a: {  	_ =	shalt  }
0x5b: {  	_ =	shalt  }
0x5c: {  	_ =	shalt  }
0x5d: {  	_ =	shalt  }
0x5e: {  	_ =	shalt  }
0x5f: {  	_ =	shalt  }
0x60: {  	_ =	shalt  }
0x61: {  	_ =	shalt  }
0x62: {  	_ =	shalt  }
0x63: {  	_ =	shalt  }
0x64: {  	_ =	shalt  }
0x65: {  	_ =	shalt  }
0x66: {  	_ =	shalt  }
0x67: {  	_ =	shalt  }
0x68: {  	_ =	shalt  }
0x69: {  	_ =	shalt  }
0x6a: {  	_ =	shalt  }
0x6b: {  	_ =	shalt  }
0x6c: {  	_ =	shalt  }
0x6d: {  	_ =	shalt  }
0x6e: {  	_ =	shalt  }
0x6f: {  	_ =	shalt  }
0x70: {  	_ =	shalt  }
0x71: {  	_ =	shalt  }
0x72: {  	_ =	shalt  }
0x73: {  	_ =	shalt  }
0x74: {  	_ =	shalt  }
0x75: {  	_ =	shalt  }
0x76: {  	_ =	shalt  }
0x77: {  	_ =	shalt  }
0x78: {  	_ =	shalt  }
0x79: {  	_ =	shalt  }
0x7a: {  	_ =	shalt  }
0x7b: {  	_ =	shalt  }
0x7c: {  	_ =	shalt  }
0x7d: {  	_ =	shalt  }
0x7e: {  	_ =	shalt  }
0x7f: {  	_ =	shalt  }
0x80: {  	_ =	shalt  }
0x81: {  	_ =	shalt  }
0x82: {  	_ =	shalt  }
0x83: {  	_ =	shalt  }
0x84: {  	_ =	shalt  }
0x85: {  	_ =	shalt  }
0x86: {  	_ =	shalt  }
0x87: {  	_ =	shalt  }
.Lfunc_end0:
.L_simem_size_0:
called_computation_lowered:
.L_overlay_start_0:
0x88: {  	s2 =	sld [smem:$0x3FD9]  }
0x89: {  	s3 =	sld [smem:$0x3FFE];
	_ =	sdelay $0x1  }
0x8a: {  	s1 =	srdreg.scid  }
0x8b: {  	s0 =	sand.u32 $0x1, s1  }
0x8c: {  	s17 =	sshll.u32 s0, $0xA;
	s2 =	sadd.s32 s3, s2  }
0x8d: {  	s2 =	sadd.s32 s2, s17  }
0x8e: {  	[smem:$0x3FC6] =	sst s2  }
0x8f: {  	_ = 	snop  }
0x90: {  	s2 =	sld [smem:$0x3FC8]  }
0x91: {  	s18 =	sld [smem:$0x3FD0];
	(tm) =	ssettm $0x1  }
0x92: {  	s4 =	sld [smem:$0x3FFB];
	_ =	sdelay $0x3  }
0x93: {  	_ =	strace s4  }
0x94: {  	s4 =	sld [smem:$0x3FFC];
	_ =	sdelay $0x3  }
0x95: {  	_ =	strace s4  }
0x96: {  	s4 =	sld [smem:$0x3FFD];
	_ =	sdelay $0x3  }
0x97: {  	_ =	strace s4  }
0x98: {  	_ =	strace $0x8FFFFFFF  }
0x99: {  	s19 =	sld [smem:$0x3FDB];
	_ =	sdelay $0x1  }
0x9a: {  	s5 =	simm.s32 $_scs_section_size  }
0x9b: {  	s6 =	simm.s32 $_size__tile_overlayer_lowered;
	s7 =	simm.s32 $_tile_overlayer_lowered  }
0x9c: {  	s22 =	simm.s32 $0x1BFF;
	s21 =	sshll.u32 s7, $0x1;
	s4 =	sadd.s32 s5, s19  }
0x9d: {  	s8 =	simm.s32 $0x0;
	s20 =	sshll.u32 s6, $0x1;
	s6 =	sadd.s32 s21, s4  }
0x9e: {  	[timem:s8], [sflag:s22] =	dma.local [hbm:s6], s20  }
0x9f: {  	_ =	swait.ge [sflag:s22], s20  }
0xa0: {  	s5 =	ssub.s32 $0x0, s20;
	[sflag:s22] =	ssyncset.done $0x0  }
0xa1: {  	[sflag:s22] =	ssyncadd.s32 s5;
	_ =	sdelay $0x1  }
0xa2: {  	s23 =	simm.s32 $0x1B8B  }
0xa3: {  	_ =	swait.ge [sflag:s23], $0x1  }
0xa4: {  	[sflag:s23] =	ssyncset.done $0x0  }
0xa5: {  	s25 =	simm.s32 $0x1B8E;
	s24 =	sld [smem:$0x3FFE];
	[sflag:s23] =	ssyncadd.s32 $0xFFFFFFFF  }
0xa6: {  	s26 =	simm.s32 $execute0_lowered;
	[smem:$0x3FD2] =	sst s25  }
0xa7: {  	s6 =	sshll.u32 s26, $0x1;
	_ =	strace $0x80000046;
	[dreg:$0x1] =	wrdreg $0xFFFFFFFF  }
0xa8: {  	s28 =	simm.s32 $_size_execute0_lowered;
	s4 =	sadd.s32 s4, s6;
	[dreg:$0x0] =	wrdreg $0x0  }
0xa9: {  	s6 =	sshll.u32 s28, $0x1;
	[dreg:$0x2] =	wrdreg s4  }
0xaa: {  	[dreg:$0x3] =	wrdreg s6  }
0xab: {  	[dreg:$0x4] =	wrdreg $0xC0  }
0xac: {  	_ =	task [dreg:s8], $0x5FFFF  }
0xad: {  	[dreg:$0x1] =	wrdreg $0xFFFFFFFF  }
0xae: {  	[dreg:$0x0] =	wrdreg $0x60  }
0xaf: {  	[dreg:$0x2] =	wrdreg s2  }
0xb0: {  	[dreg:$0x3] =	wrdreg s24  }
0xb1: {  	[dreg:$0x4] =	wrdreg s18  }
0xb2: {  	[dreg:$0x5] =	wrdreg $0x9  }
0xb3: {  	_ =	task.clear_ibuf [dreg:s8], $0x6FFFF;
	_ =	strace $0x90000046  }
0xb4: {  	s29 =	simm.s32 $0x9;
	_ =	strace $0x80000048  }
0xb5: {  	_ =	swait.ge [sflag:s29], $0x1  }
0xb6: {  	[sflag:s29] =	ssyncadd.s32 $0xFFFFFFFF  }
0xb7: {  	_ =	strace $0x90000048  }
0xb8: {  	_ =	sfence  }
0xb9: {  	s30 =	sld [smem:$0x0];
	_ =	sdelay $0x2  }
0xba: {  	s31 =	sshll.u32 s1, $0xD;
	s1 =	sshrl.u32 s1, $0x2  }
0xbb: {  	s3 =	sand.u32 $0x4000, s31;
	s1 =	sadd.s32 s1, s30  }
0xbc: {  	s0 =	sor.u32 s3, s0;
	s1 =	sshll.u32 s1, $0x11  }
0xbd: {  	s0 =	sor.u32 s1, s0  }
0xbe: {  	s0 =	sadd.s32 $0x8F2B, s0  }
0xbf: {  	[sflag:s0] =	ssyncadd.remote.s32 $0x1  }
0xc0: {  	_ =	sfence.sel $0xFFFF  }
0xc1: {  	[dreg:$0x0] =	wrdreg $0xFFFFFFFF;
	(pc) =	sbr.abs _section_cstart, $3  }
0xc2: {  	[dreg:$0x1] =	wrdreg $0xFFFFFFFF  }
0xc3: {  	_ =	task.clear_ibuf [dreg:s8], $0x2FFFF;
	_ =	strace $0x9FFFFFFF  }
0xc4: {  	(tm) =	ssettm $0x7FFFFFFF  }
0xc5: {  	_ =	shalt  }
tec
execute0_lowered:
.L_overlay_start_1:
0x0: {  	(tag) =	ssettag $0x1  }
0x1: {  	s1 =	rddreg [dreg:$0x0]  }
0x2: {  	s0 =	rddreg [dreg:$0x1];
	s2 =	srdreg.scid  }
0x3: {  	s8 =	stileid.u32;
	s9 =	rddreg [dreg:$0x2]  }
0x4: {  	s4 =	simm.s32 $0x0;
	s30 =	simm.s32 $0xD400;
	s28 =	simm.s32 $0xE400  }
0x5: {  	s29 =	simm.s32 $0xEC00;
	s2 =	sand.u32 $0x1, s2;
	s3 =	sshll.u32 s8, $0x1  }
0x6: {  	s11 =	smul.u32 $0x960000, s8;
	s3 =	sor.u32 s2, s3;
	s6 =	ssub.s32 $0x2, s2  }
0x7: {  	s31 =	simm.s32 $0x2;
	s5 =	smul.u32 $0xC80, s3;
	s7 =	sshrl.u32 s6, $0x1  }
0x8: {  	[smem:$0x7FF] =	sst s4;
	s3 =	smul.u32 $0x4B0000, s3;
	s26 =	ssub.s32 s6, s7  }
0x9: {  	_ =	strace $0x80000047;
	s0 =	sadd.s32 s5, s0;
	s5 =	smax.u32 s26, $0x1  }
0xa: {  	s10 =	sshrl.u32 s3, $0x3;
	s0 =	sadd.s32 $0x400, s0;
	[dreg:$0x10] =	wrdreg s5  }
0xb: {  	s8 =	sadd.s32 $0x200, s1;
	s12 =	sadd.s32 s9, s10;
	[dreg:$0x7] =	wrdreg s0  }
0xc: {  	s13 =	smul.u32 $0x4B0000, s2;
	s14 =	sadd.s32 $0xC00, s12;
	[dreg:$0x8] =	wrdreg s12  }
0xd: {  	s6 =	sadd.s32 $0x100, s1;
	s15 =	sadd.s32 $0x1800, s12;
	[dreg:$0x9] =	wrdreg s14  }
0xe: {  	s7 =	simm.s32 $0x1;
	s16 =	sadd.s32 $0x2400, s12;
	[dreg:$0xa] =	wrdreg s15  }
0xf: {  	s10 =	simm.s32 $0x7C00;
	s17 =	sadd.s32 $0x93000, s12;
	[dreg:$0xb] =	wrdreg s16  }
0x10: {  	s0 =	sadd.s32 s13, s11;
	s18 =	sadd.s32 $0x93C00, s12;
	[dreg:$0xc] =	wrdreg s17  }
0x11: {  	s19 =	sadd.s32 $0x94800, s12;
	s21 =	sadd.s32 $0x95400, s12;
	[dreg:$0xd] =	wrdreg s18  }
0x12: {  	s11 =	simm.s32 $0x8400;
	s12 =	simm.s32 $0x8C00;
	[dreg:$0xe] =	wrdreg s19  }
0x13: {  	s13 =	simm.s32 $0x9400;
	s20 =	sadd.s32 $0x1E000, s0;
	[dreg:$0xf] =	wrdreg s21  }
0x14: {  	s22 =	sadd.s32 $0x24000, s0;
	s23 =	sadd.s32 $0x2A000, s0;
	s0 =	sadd.s32 $0x18000, s0  }
0x15: {  	s14 =	simm.s32 $0x9C00;
	s15 =	simm.s32 $0xA400;
	s16 =	simm.s32 $0xAC00  }
0x16: {  	s17 =	simm.s32 $0xB400;
	s18 =	simm.s32 $0xDC00;
	s21 =	simm.s32 $0x5  }
0x17: {  	s19 =	simm.s32 $0x0;
	s2 =	sshrl.u32 s20, $0x3;
	s3 =	sshrl.u32 s22, $0x3  }
0x18: {  	s25 =	sshrl.u32 s23, $0x3;
	[dreg:$0x11] =	wrdreg s0;
	s0 =	simm.s32 $0xCC00  }
0x19: {  	s20 =	simm.s32 $0x3;
	s22 =	simm.s32 $0x4;
	s2 =	sadd.s32 s2, s9  }
0x1a: {  	s23 =	simm.s32 $0x6;
	s24 =	sadd.s32 s3, s9;
	[dreg:$0x4] =	wrdreg s2  }
0x1b: {  	v2 =	vlaneseq.u32;
	s26 =	sadd.s32 s25, s9;
	s9 =	simm.s32 $0x7400;
	[dreg:$0x5] =	wrdreg s24  }
0x1c: {  	vm0 =	vmmov $0xffff;
	v1 =	vshrl.u32 v2, $0x3;
	s3 =	simm.s32 $0xBC00;
	s25 =	simm.s32 $0x8;
	[dreg:$0x6] =	wrdreg s26  }
0x1d: {  	v0 =	vand.u32 $0x7, v2;
	v2 =	vor.u32 $0x8, v2;
	v1 =	vmul.u32 $0x8, v1;
	s26 =	simm.s32 $0x6C00;
	s2 =	simm.s32 $0x11C00;
	s24 =	simm.s32 $0x7  }
.LBB2_1:
0x1e: {  	[dreg:$0x12] =	wrdreg s19  }
0x1f: {  	s5 =	rddreg [dreg:$0x7];
	s19 =	simm.s32 $0x9  }
0x20: {  	[tilespmem:s4], [sflag:$0x9] =	stream.linear.gather [hbm4b:s5+s4], $0x6400, $0x38;
	[tilespmem:$0x1E400] =	vst v63  }
0x21: {  	_ =	swait.ge [sflag:s19], $0x6400  }
0x22: {  	[sflag:s19] =	ssyncset.done $0x0  }
0x23: {  	[sflag:s19] =	ssyncadd.s32 $0xFFFF9C00  }
0x24: {  	v3 =	vld [tilespmem:$0x0];
	_ =	sdelay $0x4  }
0x25: {  	v4 =	vshrl.u32 v3, $0x3  }
0x26: {  	v4 =	vmul.u32 $0x30, v4  }
0x27: {  	v3 =	vand.u32 $0x7, v3  }
0x28: {  	v3 =	vor.u32 v3, v4  }
0x29: {  	v4 =	vperm.xlane v3, v0;
	_ =	sdelay $0x1  }
0x2a: {  	v4 =	vadd.s32 v1, v4;
	_ =	sdelay $0x3  }
0x2b: {  	s19 =	simm.s32 $0x6400;
	v3 =	vperm.xlane v3, v2  }
0x2c: {  	[tilespmem:s19], [sflag:$0x1] =	stream.indirect_vreg.gather [hbm4b:s1+s4], $0x80, v4, vm0, $0xb8;
	[tilespmem:$0x1E400] =	vst v63  }
0x2d: {  	v3 =	vadd.s32 v1, v3  }
0x2e: {  	[tilespmem:s26], [sflag:$0x1] =	stream.indirect_vreg.gather [hbm4b:s6+s4], $0x80, v4, vm0, $0xb8;
	[tilespmem:$0x1E400] =	vst v63  }
0x2f: {  	_ = 	snop  }
0x30: {  	[tilespmem:s9], [sflag:$0x1] =	stream.indirect_vreg.gather [hbm4b:s8+s4], $0x80, v4, vm0, $0xb8;
	[tilespmem:$0x1E400] =	vst v63  }
0x31: {  	_ = 	snop  }
0x32: {  	[tilespmem:s10], [sflag:$0x1] =	stream.indirect_vreg.gather [hbm4b:s1+s4], $0x80, v3, vm0, $0xb8;
	[tilespmem:$0x1E400] =	vst v63  }
0x33: {  	_ = 	snop  }
0x34: {  	[tilespmem:s11], [sflag:$0x1] =	stream.indirect_vreg.gather [hbm4b:s6+s4], $0x80, v3, vm0, $0xb8;
	[tilespmem:$0x1E400] =	vst v63  }
0x35: {  	_ = 	snop  }
0x36: {  	[tilespmem:s12], [sflag:$0x1] =	stream.indirect_vreg.gather [hbm4b:s8+s4], $0x80, v3, vm0, $0xb8;
	[tilespmem:$0x1E400] =	vst v63  }
0x37: {  	v3 =	vld [tilespmem:$0x10];
	_ =	sdelay $0x4  }
0x38: {  	v53 =	vshrl.u32 v3, $0x3  }
0x39: {  	v4 =	vmul.u32 $0x30, v53  }
0x3a: {  	v3 =	vand.u32 $0x7, v3  }
0x3b: {  	v3 =	vor.u32 v3, v4  }
0x3c: {  	v4 =	vperm.xlane v3, v0;
	_ =	sdelay $0x1  }
0x3d: {  	v4 =	vadd.s32 v1, v4;
	_ =	sdelay $0x3  }
0x3e: {  	v3 =	vperm.xlane v3, v2  }
0x3f: {  	[tilespmem:s13], [sflag:$0x1] =	stream.indirect_vreg.gather [hbm4b:s1+s4], $0x80, v4, vm0, $0xb8;
	[tilespmem:$0x1E400] =	vst v63  }
0x40: {  	v3 =	vadd.s32 v1, v3  }
0x41: {  	[tilespmem:s14], [sflag:$0x1] =	stream.indirect_vreg.gather [hbm4b:s6+s4], $0x80, v4, vm0, $0xb8;
	[tilespmem:$0x1E400] =	vst v63  }
0x42: {  	_ = 	snop  }
0x43: {  	[tilespmem:s15], [sflag:$0x1] =	stream.indirect_vreg.gather [hbm4b:s8+s4], $0x80, v4, vm0, $0xb8;
	[tilespmem:$0x1E400] =	vst v63  }
0x44: {  	_ = 	snop  }
0x45: {  	[tilespmem:s16], [sflag:$0x1] =	stream.indirect_vreg.gather [hbm4b:s1+s4], $0x80, v3, vm0, $0xb8;
	[tilespmem:$0x1E400] =	vst v63  }
0x46: {  	_ = 	snop  }
0x47: {  	[tilespmem:s17], [sflag:$0x1] =	stream.indirect_vreg.gather [hbm4b:s6+s4], $0x80, v3, vm0, $0xb8;
	[tilespmem:$0x1E400] =	vst v63  }
0x48: {  	_ = 	snop  }
0x49: {  	[tilespmem:s3], [sflag:$0x1] =	stream.indirect_vreg.gather [hbm4b:s8+s4], $0x80, v3, vm0, $0xb8;
	[tilespmem:$0x1E400] =	vst v63  }
0x4a: {  	v3 =	vld [tilespmem:$0x80];
	_ =	sdelay $0x4  }
0x4b: {  	v54 =	vshrl.u32 v3, $0x3  }
0x4c: {  	v4 =	vmul.u32 $0x30, v54  }
0x4d: {  	v3 =	vand.u32 $0x7, v3  }
0x4e: {  	v3 =	vor.u32 v3, v4  }
0x4f: {  	v4 =	vperm.xlane v3, v0;
	_ =	sdelay $0x1  }
0x50: {  	v4 =	vadd.s32 v1, v4;
	_ =	sdelay $0x3  }
0x51: {  	s5 =	simm.s32 $0xC400;
	v3 =	vperm.xlane v3, v2  }
0x52: {  	[tilespmem:s5], [sflag:$0x2] =	stream.indirect_vreg.gather [hbm4b:s1+s4], $0x80, v4, vm0, $0xb8;
	[tilespmem:$0x1E400] =	vst v63  }
0x53: {  	v3 =	vadd.s32 v1, v3  }
0x54: {  	[tilespmem:s0], [sflag:$0x2] =	stream.indirect_vreg.gather [hbm4b:s6+s4], $0x80, v4, vm0, $0xb8;
	[tilespmem:$0x1E400] =	vst v63  }
0x55: {  	_ = 	snop  }
0x56: {  	[tilespmem:s30], [sflag:$0x2] =	stream.indirect_vreg.gather [hbm4b:s8+s4], $0x80, v4, vm0, $0xb8;
	[tilespmem:$0x1E400] =	vst v63  }
0x57: {  	_ = 	snop  }
0x58: {  	[tilespmem:s18], [sflag:$0x2] =	stream.indirect_vreg.gather [hbm4b:s1+s4], $0x80, v3, vm0, $0xb8;
	[tilespmem:$0x1E400] =	vst v63  }
0x59: {  	_ = 	snop  }
0x5a: {  	[tilespmem:s28], [sflag:$0x2] =	stream.indirect_vreg.gather [hbm4b:s6+s4], $0x80, v3, vm0, $0xb8;
	[tilespmem:$0x1E400] =	vst v63  }
0x5b: {  	_ = 	snop  }
0x5c: {  	[tilespmem:s29], [sflag:$0x2] =	stream.indirect_vreg.gather [hbm4b:s8+s4], $0x80, v3, vm0, $0xb8;
	[tilespmem:$0x1E400] =	vst v63  }
0x5d: {  	v3 =	vld [tilespmem:$0x90];
	_ =	sdelay $0x4  }
0x5e: {  	v55 =	vshrl.u32 v3, $0x3  }
0x5f: {  	v4 =	vmul.u32 $0x30, v55  }
0x60: {  	v3 =	vand.u32 $0x7, v3  }
0x61: {  	v3 =	vor.u32 v3, v4  }
0x62: {  	v4 =	vperm.xlane v3, v0;
	_ =	sdelay $0x1  }
0x63: {  	v4 =	vadd.s32 v1, v4;
	_ =	sdelay $0x3  }
0x64: {  	s5 =	simm.s32 $0xF400;
	v3 =	vperm.xlane v3, v2  }
0x65: {  	[tilespmem:s5], [sflag:$0x2] =	stream.indirect_vreg.gather [hbm4b:s1+s4], $0x80, v4, vm0, $0xb8;
	[tilespmem:$0x1E400] =	vst v63  }
0x66: {  	v3 =	vadd.s32 v1, v3;
	s5 =	simm.s32 $0xFC00  }
0x67: {  	[tilespmem:s5], [sflag:$0x2] =	stream.indirect_vreg.gather [hbm4b:s6+s4], $0x80, v4, vm0, $0xb8;
	[tilespmem:$0x1E400] =	vst v63  }
0x68: {  	s5 =	simm.s32 $0x10400  }
0x69: {  	[tilespmem:s5], [sflag:$0x2] =	stream.indirect_vreg.gather [hbm4b:s8+s4], $0x80, v4, vm0, $0xb8;
	[tilespmem:$0x1E400] =	vst v63  }
0x6a: {  	s5 =	simm.s32 $0x10C00  }
0x6b: {  	[tilespmem:s5], [sflag:$0x2] =	stream.indirect_vreg.gather [hbm4b:s1+s4], $0x80, v3, vm0, $0xb8;
	[tilespmem:$0x1E400] =	vst v63  }
0x6c: {  	s5 =	simm.s32 $0x11400  }
0x6d: {  	[tilespmem:s5], [sflag:$0x2] =	stream.indirect_vreg.gather [hbm4b:s6+s4], $0x80, v3, vm0, $0xb8;
	[tilespmem:$0x1E400] =	vst v63  }
0x6e: {  	_ = 	snop  }
0x6f: {  	[tilespmem:s2], [sflag:$0x2] =	stream.indirect_vreg.gather [hbm4b:s8+s4], $0x80, v3, vm0, $0xb8;
	[tilespmem:$0x1E400] =	vst v63  }
0x70: {  	_ =	swait.ge [sflag:s7], $0x6000  }
0x71: {  	[sflag:s7] =	ssyncset.done $0x0  }
0x72: {  	s19 =	simm.s32 $0x6400;
	s2 =	rddreg [dreg:$0x8];
	[sflag:s7] =	ssyncadd.s32 $0xFFFFA000  }
0x73: {  	[hbm4b:s2+s4] =	stream.linear.scatter [tilespmem:s19], [sflag:$0x5], $0x6000, $0x38;
	[tilespmem:$0x1E400] =	vst v63  }
0x74: {  	v3 =	vld [tilespmem:$0x100];
	_ =	sdelay $0x4  }
0x75: {  	v56 =	vshrl.u32 v3, $0x3  }
0x76: {  	v4 =	vmul.u32 $0x30, v56  }
0x77: {  	v3 =	vand.u32 $0x7, v3  }
0x78: {  	v3 =	vor.u32 v3, v4  }
0x79: {  	v4 =	vperm.xlane v3, v0;
	_ =	sdelay $0x1  }
0x7a: {  	v4 =	vadd.s32 v1, v4;
	_ =	sdelay $0x3  }
0x7b: {  	s2 =	simm.s32 $0x12400;
	v3 =	vperm.xlane v3, v2  }
0x7c: {  	[tilespmem:s2], [sflag:$0x3] =	stream.indirect_vreg.gather [hbm4b:s1+s4], $0x80, v4, vm0, $0xb8;
	[tilespmem:$0x1E400] =	vst v63  }
0x7d: {  	s19 =	simm.s32 $0x12C00;
	v3 =	vadd.s32 v1, v3  }
0x7e: {  	[tilespmem:s19], [sflag:$0x3] =	stream.indirect_vreg.gather [hbm4b:s6+s4], $0x80, v4, vm0, $0xb8;
	[tilespmem:$0x1E400] =	vst v63  }
0x7f: {  	s19 =	simm.s32 $0x13400  }
0x80: {  	[tilespmem:s19], [sflag:$0x3] =	stream.indirect_vreg.gather [hbm4b:s8+s4], $0x80, v4, vm0, $0xb8;
	[tilespmem:$0x1E400] =	vst v63  }
0x81: {  	s19 =	simm.s32 $0x13C00  }
0x82: {  	[tilespmem:s19], [sflag:$0x3] =	stream.indirect_vreg.gather [hbm4b:s1+s4], $0x80, v3, vm0, $0xb8;
	[tilespmem:$0x1E400] =	vst v63  }
0x83: {  	s19 =	simm.s32 $0x14400  }
0x84: {  	[tilespmem:s19], [sflag:$0x3] =	stream.indirect_vreg.gather [hbm4b:s6+s4], $0x80, v3, vm0, $0xb8;
	[tilespmem:$0x1E400] =	vst v63  }
0x85: {  	s19 =	simm.s32 $0x14C00  }
0x86: {  	[tilespmem:s19], [sflag:$0x3] =	stream.indirect_vreg.gather [hbm4b:s8+s4], $0x80, v3, vm0, $0xb8;
	[tilespmem:$0x1E400] =	vst v63  }
0x87: {  	v3 =	vld [tilespmem:$0x110];
	_ =	sdelay $0x4  }
0x88: {  	v57 =	vshrl.u32 v3, $0x3  }
0x89: {  	v4 =	vmul.u32 $0x30, v57  }
0x8a: {  	v3 =	vand.u32 $0x7, v3  }
0x8b: {  	v3 =	vor.u32 v3, v4  }
0x8c: {  	v4 =	vperm.xlane v3, v0;
	_ =	sdelay $0x1  }
0x8d: {  	v4 =	vadd.s32 v1, v4;
	_ =	sdelay $0x3  }
0x8e: {  	s19 =	simm.s32 $0x15400;
	v3 =	vperm.xlane v3, v2  }
0x8f: {  	[tilespmem:s19], [sflag:$0x3] =	stream.indirect_vreg.gather [hbm4b:s1+s4], $0x80, v4, vm0, $0xb8;
	[tilespmem:$0x1E400] =	vst v63  }
0x90: {  	v3 =	vadd.s32 v1, v3;
	s19 =	simm.s32 $0x15C00  }
0x91: {  	[tilespmem:s19], [sflag:$0x3] =	stream.indirect_vreg.gather [hbm4b:s6+s4], $0x80, v4, vm0, $0xb8;
	[tilespmem:$0x1E400] =	vst v63  }
0x92: {  	s19 =	simm.s32 $0x16400  }
0x93: {  	[tilespmem:s19], [sflag:$0x3] =	stream.indirect_vreg.gather [hbm4b:s8+s4], $0x80, v4, vm0, $0xb8;
	[tilespmem:$0x1E400] =	vst v63  }
0x94: {  	s19 =	simm.s32 $0x16C00  }
0x95: {  	[tilespmem:s19], [sflag:$0x3] =	stream.indirect_vreg.gather [hbm4b:s1+s4], $0x80, v3, vm0, $0xb8;
	[tilespmem:$0x1E400] =	vst v63  }
0x96: {  	s19 =	simm.s32 $0x17400  }
0x97: {  	[tilespmem:s19], [sflag:$0x3] =	stream.indirect_vreg.gather [hbm4b:s6+s4], $0x80, v3, vm0, $0xb8;
	[tilespmem:$0x1E400] =	vst v63  }
0x98: {  	s19 =	simm.s32 $0x17C00  }
0x99: {  	[tilespmem:s19], [sflag:$0x3] =	stream.indirect_vreg.gather [hbm4b:s8+s4], $0x80, v3, vm0, $0xb8;
	[tilespmem:$0x1E400] =	vst v63  }
0x9a: {  	_ =	swait.ge [sflag:s31], $0x6000  }
0x9b: {  	[sflag:s31] =	ssyncset.done $0x0  }
0x9c: {  	s19 =	simm.s32 $0xC400;
	s5 =	rddreg [dreg:$0x9];
	[sflag:s31] =	ssyncadd.s32 $0xFFFFA000  }
0x9d: {  	[hbm4b:s5+s4] =	stream.linear.scatter [tilespmem:s19], [sflag:$0x6], $0x6000, $0x38;
	[tilespmem:$0x1E400] =	vst v63  }
0x9e: {  	v3 =	vld [tilespmem:$0x180];
	_ =	sdelay $0x4  }
0x9f: {  	v58 =	vshrl.u32 v3, $0x3  }
0xa0: {  	v4 =	vmul.u32 $0x30, v58  }
0xa1: {  	v3 =	vand.u32 $0x7, v3  }
0xa2: {  	v3 =	vor.u32 v3, v4  }
0xa3: {  	v4 =	vperm.xlane v3, v0;
	_ =	sdelay $0x1  }
0xa4: {  	v4 =	vadd.s32 v1, v4;
	_ =	sdelay $0x3  }
0xa5: {  	s19 =	simm.s32 $0x18400;
	v3 =	vperm.xlane v3, v2  }
0xa6: {  	[tilespmem:s19], [sflag:$0x4] =	stream.indirect_vreg.gather [hbm4b:s1+s4], $0x80, v4, vm0, $0xb8;
	[tilespmem:$0x1E400] =	vst v63  }
0xa7: {  	s5 =	simm.s32 $0x18C00;
	v3 =	vadd.s32 v1, v3  }
0xa8: {  	[tilespmem:s5], [sflag:$0x4] =	stream.indirect_vreg.gather [hbm4b:s6+s4], $0x80, v4, vm0, $0xb8;
	[tilespmem:$0x1E400] =	vst v63  }
0xa9: {  	s5 =	simm.s32 $0x19400  }
0xaa: {  	[tilespmem:s5], [sflag:$0x4] =	stream.indirect_vreg.gather [hbm4b:s8+s4], $0x80, v4, vm0, $0xb8;
	[tilespmem:$0x1E400] =	vst v63  }
0xab: {  	s5 =	simm.s32 $0x19C00  }
0xac: {  	[tilespmem:s5], [sflag:$0x4] =	stream.indirect_vreg.gather [hbm4b:s1+s4], $0x80, v3, vm0, $0xb8;
	[tilespmem:$0x1E400] =	vst v63  }
0xad: {  	s5 =	simm.s32 $0x1A400  }
0xae: {  	[tilespmem:s5], [sflag:$0x4] =	stream.indirect_vreg.gather [hbm4b:s6+s4], $0x80, v3, vm0, $0xb8;
	[tilespmem:$0x1E400] =	vst v63  }
0xaf: {  	s5 =	simm.s32 $0x1AC00  }
0xb0: {  	[tilespmem:s5], [sflag:$0x4] =	stream.indirect_vreg.gather [hbm4b:s8+s4], $0x80, v3, vm0, $0xb8;
	[tilespmem:$0x1E400] =	vst v63  }
0xb1: {  	v3 =	vld [tilespmem:$0x190];
	_ =	sdelay $0x4  }
0xb2: {  	v59 =	vshrl.u32 v3, $0x3  }
0xb3: {  	v4 =	vmul.u32 $0x30, v59  }
0xb4: {  	v3 =	vand.u32 $0x7, v3  }
0xb5: {  	v3 =	vor.u32 v3, v4  }
0xb6: {  	v4 =	vperm.xlane v3, v0;
	_ =	sdelay $0x1  }
0xb7: {  	v4 =	vadd.s32 v1, v4;
	_ =	sdelay $0x3  }
0xb8: {  	s5 =	simm.s32 $0x1B400;
	v3 =	vperm.xlane v3, v2  }
0xb9: {  	[tilespmem:s5], [sflag:$0x4] =	stream.indirect_vreg.gather [hbm4b:s1+s4], $0x80, v4, vm0, $0xb8;
	[tilespmem:$0x1E400] =	vst v63  }
0xba: {  	v3 =	vadd.s32 v1, v3;
	s5 =	simm.s32 $0x1BC00  }
0xbb: {  	[tilespmem:s5], [sflag:$0x4] =	stream.indirect_vreg.gather [hbm4b:s6+s4], $0x80, v4, vm0, $0xb8;
	[tilespmem:$0x1E400] =	vst v63  }
0xbc: {  	s5 =	simm.s32 $0x1C400  }
0xbd: {  	[tilespmem:s5], [sflag:$0x4] =	stream.indirect_vreg.gather [hbm4b:s8+s4], $0x80, v4, vm0, $0xb8;
	[tilespmem:$0x1E400] =	vst v63  }
0xbe: {  	s5 =	simm.s32 $0x1CC00  }
0xbf: {  	[tilespmem:s5], [sflag:$0x4] =	stream.indirect_vreg.gather [hbm4b:s1+s4], $0x80, v3, vm0, $0xb8;
	[tilespmem:$0x1E400] =	vst v63  }
0xc0: {  	s5 =	simm.s32 $0x1D400  }
0xc1: {  	[tilespmem:s5], [sflag:$0x4] =	stream.indirect_vreg.gather [hbm4b:s6+s4], $0x80, v3, vm0, $0xb8;
	[tilespmem:$0x1E400] =	vst v63  }
0xc2: {  	s5 =	simm.s32 $0x1DC00  }
0xc3: {  	[tilespmem:s5], [sflag:$0x4] =	stream.indirect_vreg.gather [hbm4b:s8+s4], $0x80, v3, vm0, $0xb8;
	[tilespmem:$0x1E400] =	vst v63  }
0xc4: {  	_ =	swait.ge [sflag:s20], $0x6000  }
0xc5: {  	[sflag:s20] =	ssyncset.done $0x0  }
0xc6: {  	s5 =	rddreg [dreg:$0xa];
	[sflag:s20] =	ssyncadd.s32 $0xFFFFA000  }
0xc7: {  	[hbm4b:s5+s4] =	stream.linear.scatter [tilespmem:s2], [sflag:$0x7], $0x6000, $0x38;
	[tilespmem:$0x1E400] =	vst v63  }
0xc8: {  	_ =	swait.ge [sflag:s21], $0x6000  }
0xc9: {  	[sflag:s21] =	ssyncset.done $0x0  }
0xca: {  	[sflag:s21] =	ssyncadd.s32 $0xFFFFA000  }
0xcb: {  	v3 =	vld [tilespmem:$0x200];
	_ =	sdelay $0x4  }
0xcc: {  	v60 =	vshrl.u32 v3, $0x3  }
0xcd: {  	v4 =	vmul.u32 $0x30, v60  }
0xce: {  	v3 =	vand.u32 $0x7, v3  }
0xcf: {  	v3 =	vor.u32 v3, v4  }
0xd0: {  	v4 =	vperm.xlane v3, v0;
	_ =	sdelay $0x1  }
0xd1: {  	v4 =	vadd.s32 v1, v4;
	_ =	sdelay $0x3  }
0xd2: {  	s5 =	simm.s32 $0x6400;
	v3 =	vperm.xlane v3, v2  }
0xd3: {  	[tilespmem:s5], [sflag:$0x1] =	stream.indirect_vreg.gather [hbm4b:s1+s4], $0x80, v4, vm0, $0xb8;
	[tilespmem:$0x1E400] =	vst v63  }
0xd4: {  	v3 =	vadd.s32 v1, v3  }
0xd5: {  	[tilespmem:s26], [sflag:$0x1] =	stream.indirect_vreg.gather [hbm4b:s6+s4], $0x80, v4, vm0, $0xb8;
	[tilespmem:$0x1E400] =	vst v63  }
0xd6: {  	_ = 	snop  }
0xd7: {  	[tilespmem:s9], [sflag:$0x1] =	stream.indirect_vreg.gather [hbm4b:s8+s4], $0x80, v4, vm0, $0xb8;
	[tilespmem:$0x1E400] =	vst v63  }
0xd8: {  	_ = 	snop  }
0xd9: {  	[tilespmem:s10], [sflag:$0x1] =	stream.indirect_vreg.gather [hbm4b:s1+s4], $0x80, v3, vm0, $0xb8;
	[tilespmem:$0x1E400] =	vst v63  }
0xda: {  	_ = 	snop  }
0xdb: {  	[tilespmem:s11], [sflag:$0x1] =	stream.indirect_vreg.gather [hbm4b:s6+s4], $0x80, v3, vm0, $0xb8;
	[tilespmem:$0x1E400] =	vst v63  }
0xdc: {  	_ = 	snop  }
0xdd: {  	[tilespmem:s12], [sflag:$0x1] =	stream.indirect_vreg.gather [hbm4b:s8+s4], $0x80, v3, vm0, $0xb8;
	[tilespmem:$0x1E400] =	vst v63  }
0xde: {  	v3 =	vld [tilespmem:$0x210];
	_ =	sdelay $0x4  }
0xdf: {  	v61 =	vshrl.u32 v3, $0x3  }
0xe0: {  	v4 =	vmul.u32 $0x30, v61  }
0xe1: {  	v3 =	vand.u32 $0x7, v3  }
0xe2: {  	v3 =	vor.u32 v3, v4  }
0xe3: {  	v4 =	vperm.xlane v3, v0;
	_ =	sdelay $0x1  }
0xe4: {  	v4 =	vadd.s32 v1, v4;
	_ =	sdelay $0x3  }
0xe5: {  	v3 =	vperm.xlane v3, v2  }
0xe6: {  	[tilespmem:s13], [sflag:$0x1] =	stream.indirect_vreg.gather [hbm4b:s1+s4], $0x80, v4, vm0, $0xb8;
	[tilespmem:$0x1E400] =	vst v63  }
0xe7: {  	v3 =	vadd.s32 v1, v3  }
0xe8: {  	[tilespmem:s14], [sflag:$0x1] =	stream.indirect_vreg.gather [hbm4b:s6+s4], $0x80, v4, vm0, $0xb8;
	[tilespmem:$0x1E400] =	vst v63  }
0xe9: {  	_ = 	snop  }
0xea: {  	[tilespmem:s15], [sflag:$0x1] =	stream.indirect_vreg.gather [hbm4b:s8+s4], $0x80, v4, vm0, $0xb8;
	[tilespmem:$0x1E400] =	vst v63  }
0xeb: {  	_ = 	snop  }
0xec: {  	[tilespmem:s16], [sflag:$0x1] =	stream.indirect_vreg.gather [hbm4b:s1+s4], $0x80, v3, vm0, $0xb8;
	[tilespmem:$0x1E400] =	vst v63  }
0xed: {  	_ = 	snop  }
0xee: {  	[tilespmem:s17], [sflag:$0x1] =	stream.indirect_vreg.gather [hbm4b:s6+s4], $0x80, v3, vm0, $0xb8;
	[tilespmem:$0x1E400] =	vst v63  }
0xef: {  	_ = 	snop  }
0xf0: {  	[tilespmem:s3], [sflag:$0x1] =	stream.indirect_vreg.gather [hbm4b:s8+s4], $0x80, v3, vm0, $0xb8;
	[tilespmem:$0x1E400] =	vst v63  }
0xf1: {  	_ =	swait.ge [sflag:s22], $0x6000  }
0xf2: {  	[sflag:s22] =	ssyncset.done $0x0  }
0xf3: {  	s14 =	rddreg [dreg:$0xb];
	[sflag:s22] =	ssyncadd.s32 $0xFFFFA000  }
0xf4: {  	[hbm4b:s14+s4] =	stream.linear.scatter [tilespmem:s19], [sflag:$0x8], $0x6000, $0x38;
	[tilespmem:$0x1E400] =	vst v63  }
0xf5: {  	_ =	swait.ge [sflag:s23], $0x6000  }
0xf6: {  	[sflag:s23] =	ssyncset.done $0x0  }
0xf7: {  	[sflag:s23] =	ssyncadd.s32 $0xFFFFA000  }
0xf8: {  	v3 =	vld [tilespmem:$0x280];
	_ =	sdelay $0x4  }
0xf9: {  	v62 =	vshrl.u32 v3, $0x3  }
0xfa: {  	v4 =	vmul.u32 $0x30, v62  }
0xfb: {  	v3 =	vand.u32 $0x7, v3  }
0xfc: {  	v3 =	vor.u32 v3, v4  }
0xfd: {  	v4 =	vperm.xlane v3, v0;
	_ =	sdelay $0x1  }
0xfe: {  	v4 =	vadd.s32 v1, v4;
	_ =	sdelay $0x3  }
0xff: {  	s15 =	simm.s32 $0xC400;
	v3 =	vperm.xlane v3, v2  }
0x100: {  	[tilespmem:s15], [sflag:$0x2] =	stream.indirect_vreg.gather [hbm4b:s1+s4], $0x80, v4, vm0, $0xb8;
	[tilespmem:$0x1E400] =	vst v63  }
0x101: {  	v3 =	vadd.s32 v1, v3  }
0x102: {  	[tilespmem:s0], [sflag:$0x2] =	stream.indirect_vreg.gather [hbm4b:s6+s4], $0x80, v4, vm0, $0xb8;
	[tilespmem:$0x1E400] =	vst v63  }
0x103: {  	_ = 	snop  }
0x104: {  	[tilespmem:s30], [sflag:$0x2] =	stream.indirect_vreg.gather [hbm4b:s8+s4], $0x80, v4, vm0, $0xb8;
	[tilespmem:$0x1E400] =	vst v63  }
0x105: {  	_ = 	snop  }
0x106: {  	[tilespmem:s18], [sflag:$0x2] =	stream.indirect_vreg.gather [hbm4b:s1+s4], $0x80, v3, vm0, $0xb8;
	[tilespmem:$0x1E400] =	vst v63  }
0x107: {  	_ = 	snop  }
0x108: {  	[tilespmem:s28], [sflag:$0x2] =	stream.indirect_vreg.gather [hbm4b:s6+s4], $0x80, v3, vm0, $0xb8;
	[tilespmem:$0x1E400] =	vst v63  }
0x109: {  	_ = 	snop  }
0x10a: {  	[tilespmem:s29], [sflag:$0x2] =	stream.indirect_vreg.gather [hbm4b:s8+s4], $0x80, v3, vm0, $0xb8;
	[tilespmem:$0x1E400] =	vst v63  }
0x10b: {  	v3 =	vld [tilespmem:$0x290];
	_ =	sdelay $0x4  }
0x10c: {  	v63 =	vshrl.u32 v3, $0x3  }
0x10d: {  	v4 =	vmul.u32 $0x30, v63  }
0x10e: {  	v3 =	vand.u32 $0x7, v3  }
0x10f: {  	v3 =	vor.u32 v3, v4  }
0x110: {  	v4 =	vperm.xlane v3, v0;
	_ =	sdelay $0x1  }
0x111: {  	v4 =	vadd.s32 v1, v4;
	_ =	sdelay $0x2  }
0x112: {  	s26 =	simm.s32 $0x11400;
	s9 =	simm.s32 $0x6C00  }
0x113: {  	s10 =	simm.s32 $0xE400;
	s11 =	simm.s32 $0x7C00;
	s16 =	simm.s32 $0xF400;
	v3 =	vperm.xlane v3, v2  }
0x114: {  	[tilespmem:s16], [sflag:$0x2] =	stream.indirect_vreg.gather [hbm4b:s1+s4], $0x80, v4, vm0, $0xb8;
	[tilespmem:$0x1E400] =	vst v63  }
0x115: {  	s12 =	simm.s32 $0xEC00;
	s13 =	simm.s32 $0x8C00;
	s17 =	simm.s32 $0xFC00;
	v3 =	vadd.s32 v1, v3  }
0x116: {  	[tilespmem:s17], [sflag:$0x2] =	stream.indirect_vreg.gather [hbm4b:s6+s4], $0x80, v4, vm0, $0xb8;
	[tilespmem:$0x1E400] =	vst v63  }
0x117: {  	s3 =	simm.s32 $0xDC00;
	s19 =	simm.s32 $0x10C00;
	s18 =	simm.s32 $0x10400  }
0x118: {  	[tilespmem:s18], [sflag:$0x2] =	stream.indirect_vreg.gather [hbm4b:s8+s4], $0x80, v4, vm0, $0xb8;
	[tilespmem:$0x1E400] =	vst v63  }
0x119: {  	s5 =	rddreg [dreg:$0x2];
	s15 =	simm.s32 $0x9C00;
	s30 =	simm.s32 $0x11C00  }
0x11a: {  	[tilespmem:s19], [sflag:$0x2] =	stream.indirect_vreg.gather [hbm4b:s1+s4], $0x80, v3, vm0, $0xb8;
	[tilespmem:$0x1E400] =	vst v63  }
0x11b: {  	s28 =	rddreg [dreg:$0x11];
	s29 =	simm.s32 $0x0;
	s16 =	simm.s32 $0xA400  }
0x11c: {  	[tilespmem:s26], [sflag:$0x2] =	stream.indirect_vreg.gather [hbm4b:s6+s4], $0x80, v3, vm0, $0xb8;
	[tilespmem:$0x1E400] =	vst v63  }
0x11d: {  	s17 =	simm.s32 $0xAC00;
	s19 =	simm.s32 $0xBC00;
	s26 =	simm.s32 $0x490  }
0x11e: {  	[tilespmem:s30], [sflag:$0x2] =	stream.indirect_vreg.gather [hbm4b:s8+s4], $0x80, v3, vm0, $0xb8;
	[tilespmem:$0x1E400] =	vst v63  }
.LBB2_2:
0x11f: {  	_ =	swait.ge [sflag:s7], $0x6000  }
0x120: {  	s30 =	sshrl.u32 s28, $0x3;
	[sflag:s7] =	ssyncset.done $0x0  }
0x121: {  	s2 =	simm.s32 $0x6400;
	s30 =	sadd.s32 s5, s30;
	[sflag:s7] =	ssyncadd.s32 $0xFFFFA000  }
0x122: {  	[hbm4b:s30+s4] =	stream.linear.scatter [tilespmem:s2], [sflag:$0x5], $0x6000, $0x38;
	[tilespmem:$0x1E400] =	vst v63  }
0x123: {  	_ =	swait.ge [sflag:s24], $0x6000  }
0x124: {  	[sflag:s24] =	ssyncset.done $0x0  }
0x125: {  	[sflag:s24] =	ssyncadd.s32 $0xFFFFA000  }
0x126: {  	v3 =	vld [tilespmem:s26+$0xFFFFFE70];
	_ =	sdelay $0x4  }
0x127: {  	v4 =	vshrl.u32 v3, $0x3  }
0x128: {  	v4 =	vmul.u32 $0x30, v4  }
0x129: {  	v3 =	vand.u32 $0x7, v3  }
0x12a: {  	v3 =	vor.u32 v3, v4  }
0x12b: {  	v4 =	vperm.xlane v3, v0;
	_ =	sdelay $0x1  }
0x12c: {  	v4 =	vadd.s32 v1, v4;
	_ =	sdelay $0x3  }
0x12d: {  	s18 =	simm.s32 $0x12400;
	v3 =	vperm.xlane v3, v2  }
0x12e: {  	[tilespmem:s18], [sflag:$0x3] =	stream.indirect_vreg.gather [hbm4b:s1+s4], $0x80, v4, vm0, $0xb8;
	[tilespmem:$0x1E400] =	vst v63  }
0x12f: {  	s0 =	simm.s32 $0x12C00;
	v3 =	vadd.s32 v1, v3  }
0x130: {  	[tilespmem:s0], [sflag:$0x3] =	stream.indirect_vreg.gather [hbm4b:s6+s4], $0x80, v4, vm0, $0xb8;
	[tilespmem:$0x1E400] =	vst v63  }
0x131: {  	s14 =	simm.s32 $0x13400  }
0x132: {  	[tilespmem:s14], [sflag:$0x3] =	stream.indirect_vreg.gather [hbm4b:s8+s4], $0x80, v4, vm0, $0xb8;
	[tilespmem:$0x1E400] =	vst v63  }
0x133: {  	s14 =	simm.s32 $0x13C00  }
0x134: {  	[tilespmem:s14], [sflag:$0x3] =	stream.indirect_vreg.gather [hbm4b:s1+s4], $0x80, v3, vm0, $0xb8;
	[tilespmem:$0x1E400] =	vst v63  }
0x135: {  	s14 =	simm.s32 $0x14400  }
0x136: {  	[tilespmem:s14], [sflag:$0x3] =	stream.indirect_vreg.gather [hbm4b:s6+s4], $0x80, v3, vm0, $0xb8;
	[tilespmem:$0x1E400] =	vst v63  }
0x137: {  	s14 =	simm.s32 $0x14C00  }
0x138: {  	[tilespmem:s14], [sflag:$0x3] =	stream.indirect_vreg.gather [hbm4b:s8+s4], $0x80, v3, vm0, $0xb8;
	[tilespmem:$0x1E400] =	vst v63  }
0x139: {  	v3 =	vld [tilespmem:s26+$0xFFFFFE80];
	_ =	sdelay $0x4  }
0x13a: {  	v57 =	vshrl.u32 v3, $0x3  }
0x13b: {  	v4 =	vmul.u32 $0x30, v57  }
0x13c: {  	v3 =	vand.u32 $0x7, v3  }
0x13d: {  	v3 =	vor.u32 v3, v4  }
0x13e: {  	v4 =	vperm.xlane v3, v0;
	_ =	sdelay $0x1  }
0x13f: {  	v4 =	vadd.s32 v1, v4;
	_ =	sdelay $0x3  }
0x140: {  	s14 =	simm.s32 $0x15400;
	v3 =	vperm.xlane v3, v2  }
0x141: {  	[tilespmem:s14], [sflag:$0x3] =	stream.indirect_vreg.gather [hbm4b:s1+s4], $0x80, v4, vm0, $0xb8;
	[tilespmem:$0x1E400] =	vst v63  }
0x142: {  	v3 =	vadd.s32 v1, v3;
	s14 =	simm.s32 $0x15C00  }
0x143: {  	[tilespmem:s14], [sflag:$0x3] =	stream.indirect_vreg.gather [hbm4b:s6+s4], $0x80, v4, vm0, $0xb8;
	[tilespmem:$0x1E400] =	vst v63  }
0x144: {  	s14 =	simm.s32 $0x16400  }
0x145: {  	[tilespmem:s14], [sflag:$0x3] =	stream.indirect_vreg.gather [hbm4b:s8+s4], $0x80, v4, vm0, $0xb8;
	[tilespmem:$0x1E400] =	vst v63  }
0x146: {  	s14 =	simm.s32 $0x16C00  }
0x147: {  	[tilespmem:s14], [sflag:$0x3] =	stream.indirect_vreg.gather [hbm4b:s1+s4], $0x80, v3, vm0, $0xb8;
	[tilespmem:$0x1E400] =	vst v63  }
0x148: {  	s14 =	simm.s32 $0x17400  }
0x149: {  	[tilespmem:s14], [sflag:$0x3] =	stream.indirect_vreg.gather [hbm4b:s6+s4], $0x80, v3, vm0, $0xb8;
	[tilespmem:$0x1E400] =	vst v63  }
0x14a: {  	s14 =	simm.s32 $0x17C00  }
0x14b: {  	[tilespmem:s14], [sflag:$0x3] =	stream.indirect_vreg.gather [hbm4b:s8+s4], $0x80, v3, vm0, $0xb8;
	[tilespmem:$0x1E400] =	vst v63  }
0x14c: {  	_ =	swait.ge [sflag:s31], $0x6000  }
0x14d: {  	s30 =	rddreg [dreg:$0x4];
	[sflag:s31] =	ssyncset.done $0x0  }
0x14e: {  	s0 =	simm.s32 $0xC400;
	[sflag:s31] =	ssyncadd.s32 $0xFFFFA000;
	s30 =	sadd.s32 s29, s30  }
0x14f: {  	[hbm4b:s30+s4] =	stream.linear.scatter [tilespmem:s0], [sflag:$0x6], $0x6000, $0x38;
	[tilespmem:$0x1E400] =	vst v63  }
0x150: {  	_ =	swait.ge [sflag:s25], $0x6000  }
0x151: {  	[sflag:s25] =	ssyncset.done $0x0  }
0x152: {  	[sflag:s25] =	ssyncadd.s32 $0xFFFFA000  }
0x153: {  	v3 =	vld [tilespmem:s26+$0xFFFFFEF0];
	_ =	sdelay $0x4  }
0x154: {  	v58 =	vshrl.u32 v3, $0x3  }
0x155: {  	v4 =	vmul.u32 $0x30, v58  }
0x156: {  	v3 =	vand.u32 $0x7, v3  }
0x157: {  	v3 =	vor.u32 v3, v4  }
0x158: {  	v4 =	vperm.xlane v3, v0;
	_ =	sdelay $0x1  }
0x159: {  	v4 =	vadd.s32 v1, v4;
	_ =	sdelay $0x3  }
0x15a: {  	s14 =	simm.s32 $0x18400;
	v3 =	vperm.xlane v3, v2  }
0x15b: {  	[tilespmem:s14], [sflag:$0x4] =	stream.indirect_vreg.gather [hbm4b:s1+s4], $0x80, v4, vm0, $0xb8;
	[tilespmem:$0x1E400] =	vst v63  }
0x15c: {  	s30 =	simm.s32 $0x18C00;
	v3 =	vadd.s32 v1, v3  }
0x15d: {  	[tilespmem:s30], [sflag:$0x4] =	stream.indirect_vreg.gather [hbm4b:s6+s4], $0x80, v4, vm0, $0xb8;
	[tilespmem:$0x1E400] =	vst v63  }
0x15e: {  	s30 =	simm.s32 $0x19400  }
0x15f: {  	[tilespmem:s30], [sflag:$0x4] =	stream.indirect_vreg.gather [hbm4b:s8+s4], $0x80, v4, vm0, $0xb8;
	[tilespmem:$0x1E400] =	vst v63  }
0x160: {  	s30 =	simm.s32 $0x19C00  }
0x161: {  	[tilespmem:s30], [sflag:$0x4] =	stream.indirect_vreg.gather [hbm4b:s1+s4], $0x80, v3, vm0, $0xb8;
	[tilespmem:$0x1E400] =	vst v63  }
0x162: {  	s30 =	simm.s32 $0x1A400  }
0x163: {  	[tilespmem:s30], [sflag:$0x4] =	stream.indirect_vreg.gather [hbm4b:s6+s4], $0x80, v3, vm0, $0xb8;
	[tilespmem:$0x1E400] =	vst v63  }
0x164: {  	s30 =	simm.s32 $0x1AC00  }
0x165: {  	[tilespmem:s30], [sflag:$0x4] =	stream.indirect_vreg.gather [hbm4b:s8+s4], $0x80, v3, vm0, $0xb8;
	[tilespmem:$0x1E400] =	vst v63  }
0x166: {  	v3 =	vld [tilespmem:s26+$0xFFFFFF00];
	_ =	sdelay $0x4  }
0x167: {  	v59 =	vshrl.u32 v3, $0x3  }
0x168: {  	v4 =	vmul.u32 $0x30, v59  }
0x169: {  	v3 =	vand.u32 $0x7, v3  }
0x16a: {  	v3 =	vor.u32 v3, v4  }
0x16b: {  	v4 =	vperm.xlane v3, v0;
	_ =	sdelay $0x1  }
0x16c: {  	v4 =	vadd.s32 v1, v4;
	_ =	sdelay $0x3  }
0x16d: {  	s30 =	simm.s32 $0x1B400;
	v3 =	vperm.xlane v3, v2  }
0x16e: {  	[tilespmem:s30], [sflag:$0x4] =	stream.indirect_vreg.gather [hbm4b:s1+s4], $0x80, v4, vm0, $0xb8;
	[tilespmem:$0x1E400] =	vst v63  }
0x16f: {  	v3 =	vadd.s32 v1, v3;
	s30 =	simm.s32 $0x1BC00  }
0x170: {  	[tilespmem:s30], [sflag:$0x4] =	stream.indirect_vreg.gather [hbm4b:s6+s4], $0x80, v4, vm0, $0xb8;
	[tilespmem:$0x1E400] =	vst v63  }
0x171: {  	s30 =	simm.s32 $0x1C400  }
0x172: {  	[tilespmem:s30], [sflag:$0x4] =	stream.indirect_vreg.gather [hbm4b:s8+s4], $0x80, v4, vm0, $0xb8;
	[tilespmem:$0x1E400] =	vst v63  }
0x173: {  	s30 =	simm.s32 $0x1CC00  }
0x174: {  	[tilespmem:s30], [sflag:$0x4] =	stream.indirect_vreg.gather [hbm4b:s1+s4], $0x80, v3, vm0, $0xb8;
	[tilespmem:$0x1E400] =	vst v63  }
0x175: {  	s30 =	simm.s32 $0x1D400  }
0x176: {  	[tilespmem:s30], [sflag:$0x4] =	stream.indirect_vreg.gather [hbm4b:s6+s4], $0x80, v3, vm0, $0xb8;
	[tilespmem:$0x1E400] =	vst v63  }
0x177: {  	s30 =	simm.s32 $0x1DC00  }
0x178: {  	[tilespmem:s30], [sflag:$0x4] =	stream.indirect_vreg.gather [hbm4b:s8+s4], $0x80, v3, vm0, $0xb8;
	[tilespmem:$0x1E400] =	vst v63  }
0x179: {  	_ =	swait.ge [sflag:s20], $0x6000  }
0x17a: {  	s30 =	rddreg [dreg:$0x5];
	[sflag:s20] =	ssyncset.done $0x0  }
0x17b: {  	[sflag:s20] =	ssyncadd.s32 $0xFFFFA000;
	s30 =	sadd.s32 s29, s30  }
0x17c: {  	[hbm4b:s30+s4] =	stream.linear.scatter [tilespmem:s18], [sflag:$0x7], $0x6000, $0x38;
	[tilespmem:$0x1E400] =	vst v63  }
0x17d: {  	_ =	swait.ge [sflag:s21], $0x6000  }
0x17e: {  	[sflag:s21] =	ssyncset.done $0x0  }
0x17f: {  	[sflag:s21] =	ssyncadd.s32 $0xFFFFA000  }
0x180: {  	v3 =	vld [tilespmem:s26+$0xFFFFFF70];
	_ =	sdelay $0x4  }
0x181: {  	v60 =	vshrl.u32 v3, $0x3  }
0x182: {  	v4 =	vmul.u32 $0x30, v60  }
0x183: {  	v3 =	vand.u32 $0x7, v3  }
0x184: {  	v3 =	vor.u32 v3, v4  }
0x185: {  	v4 =	vperm.xlane v3, v0;
	_ =	sdelay $0x1  }
0x186: {  	v4 =	vadd.s32 v1, v4;
	_ =	sdelay $0x3  }
0x187: {  	v3 =	vperm.xlane v3, v2  }
0x188: {  	[tilespmem:s2], [sflag:$0x1] =	stream.indirect_vreg.gather [hbm4b:s1+s4], $0x80, v4, vm0, $0xb8;
	[tilespmem:$0x1E400] =	vst v63  }
0x189: {  	v3 =	vadd.s32 v1, v3  }
0x18a: {  	[tilespmem:s9], [sflag:$0x1] =	stream.indirect_vreg.gather [hbm4b:s6+s4], $0x80, v4, vm0, $0xb8;
	[tilespmem:$0x1E400] =	vst v63  }
0x18b: {  	s2 =	simm.s32 $0x7400  }
0x18c: {  	[tilespmem:s2], [sflag:$0x1] =	stream.indirect_vreg.gather [hbm4b:s8+s4], $0x80, v4, vm0, $0xb8;
	[tilespmem:$0x1E400] =	vst v63  }
0x18d: {  	_ = 	snop  }
0x18e: {  	[tilespmem:s11], [sflag:$0x1] =	stream.indirect_vreg.gather [hbm4b:s1+s4], $0x80, v3, vm0, $0xb8;
	[tilespmem:$0x1E400] =	vst v63  }
0x18f: {  	s2 =	simm.s32 $0x8400  }
0x190: {  	[tilespmem:s2], [sflag:$0x1] =	stream.indirect_vreg.gather [hbm4b:s6+s4], $0x80, v3, vm0, $0xb8;
	[tilespmem:$0x1E400] =	vst v63  }
0x191: {  	_ = 	snop  }
0x192: {  	[tilespmem:s13], [sflag:$0x1] =	stream.indirect_vreg.gather [hbm4b:s8+s4], $0x80, v3, vm0, $0xb8;
	[tilespmem:$0x1E400] =	vst v63  }
0x193: {  	v3 =	vld [tilespmem:s26+$0xFFFFFF80];
	_ =	sdelay $0x4  }
0x194: {  	v61 =	vshrl.u32 v3, $0x3  }
0x195: {  	v4 =	vmul.u32 $0x30, v61  }
0x196: {  	v3 =	vand.u32 $0x7, v3  }
0x197: {  	v3 =	vor.u32 v3, v4  }
0x198: {  	v4 =	vperm.xlane v3, v0;
	_ =	sdelay $0x1  }
0x199: {  	v4 =	vadd.s32 v1, v4;
	_ =	sdelay $0x3  }
0x19a: {  	s2 =	simm.s32 $0x9400;
	v3 =	vperm.xlane v3, v2  }
0x19b: {  	[tilespmem:s2], [sflag:$0x1] =	stream.indirect_vreg.gather [hbm4b:s1+s4], $0x80, v4, vm0, $0xb8;
	[tilespmem:$0x1E400] =	vst v63  }
0x19c: {  	v3 =	vadd.s32 v1, v3  }
0x19d: {  	[tilespmem:s15], [sflag:$0x1] =	stream.indirect_vreg.gather [hbm4b:s6+s4], $0x80, v4, vm0, $0xb8;
	[tilespmem:$0x1E400] =	vst v63  }
0x19e: {  	_ = 	snop  }
0x19f: {  	[tilespmem:s16], [sflag:$0x1] =	stream.indirect_vreg.gather [hbm4b:s8+s4], $0x80, v4, vm0, $0xb8;
	[tilespmem:$0x1E400] =	vst v63  }
0x1a0: {  	_ = 	snop  }
0x1a1: {  	[tilespmem:s17], [sflag:$0x1] =	stream.indirect_vreg.gather [hbm4b:s1+s4], $0x80, v3, vm0, $0xb8;
	[tilespmem:$0x1E400] =	vst v63  }
0x1a2: {  	s2 =	simm.s32 $0xB400  }
0x1a3: {  	[tilespmem:s2], [sflag:$0x1] =	stream.indirect_vreg.gather [hbm4b:s6+s4], $0x80, v3, vm0, $0xb8;
	[tilespmem:$0x1E400] =	vst v63  }
0x1a4: {  	_ = 	snop  }
0x1a5: {  	[tilespmem:s19], [sflag:$0x1] =	stream.indirect_vreg.gather [hbm4b:s8+s4], $0x80, v3, vm0, $0xb8;
	[tilespmem:$0x1E400] =	vst v63  }
0x1a6: {  	_ =	swait.ge [sflag:s22], $0x6000  }
0x1a7: {  	s30 =	rddreg [dreg:$0x6];
	[sflag:s22] =	ssyncset.done $0x0  }
0x1a8: {  	[sflag:s22] =	ssyncadd.s32 $0xFFFFA000;
	s30 =	sadd.s32 s29, s30  }
0x1a9: {  	[hbm4b:s30+s4] =	stream.linear.scatter [tilespmem:s14], [sflag:$0x8], $0x6000, $0x38;
	[tilespmem:$0x1E400] =	vst v63  }
0x1aa: {  	_ =	swait.ge [sflag:s23], $0x6000  }
0x1ab: {  	[sflag:s23] =	ssyncset.done $0x0  }
0x1ac: {  	[sflag:s23] =	ssyncadd.s32 $0xFFFFA000  }
0x1ad: {  	v3 =	vld [tilespmem:s26+$0xFFFFFFF0];
	_ =	sdelay $0x4  }
0x1ae: {  	v62 =	vshrl.u32 v3, $0x3  }
0x1af: {  	v4 =	vmul.u32 $0x30, v62  }
0x1b0: {  	v3 =	vand.u32 $0x7, v3  }
0x1b1: {  	v3 =	vor.u32 v3, v4  }
0x1b2: {  	v4 =	vperm.xlane v3, v0;
	_ =	sdelay $0x1  }
0x1b3: {  	v4 =	vadd.s32 v1, v4;
	_ =	sdelay $0x3  }
0x1b4: {  	v3 =	vperm.xlane v3, v2  }
0x1b5: {  	[tilespmem:s0], [sflag:$0x2] =	stream.indirect_vreg.gather [hbm4b:s1+s4], $0x80, v4, vm0, $0xb8;
	[tilespmem:$0x1E400] =	vst v63  }
0x1b6: {  	v3 =	vadd.s32 v1, v3;
	s0 =	simm.s32 $0xCC00  }
0x1b7: {  	[tilespmem:s0], [sflag:$0x2] =	stream.indirect_vreg.gather [hbm4b:s6+s4], $0x80, v4, vm0, $0xb8;
	[tilespmem:$0x1E400] =	vst v63  }
0x1b8: {  	s30 =	simm.s32 $0xD400  }
0x1b9: {  	[tilespmem:s30], [sflag:$0x2] =	stream.indirect_vreg.gather [hbm4b:s8+s4], $0x80, v4, vm0, $0xb8;
	[tilespmem:$0x1E400] =	vst v63  }
0x1ba: {  	_ = 	snop  }
0x1bb: {  	[tilespmem:s3], [sflag:$0x2] =	stream.indirect_vreg.gather [hbm4b:s1+s4], $0x80, v3, vm0, $0xb8;
	[tilespmem:$0x1E400] =	vst v63  }
0x1bc: {  	_ = 	snop  }
0x1bd: {  	[tilespmem:s10], [sflag:$0x2] =	stream.indirect_vreg.gather [hbm4b:s6+s4], $0x80, v3, vm0, $0xb8;
	[tilespmem:$0x1E400] =	vst v63  }
0x1be: {  	_ = 	snop  }
0x1bf: {  	[tilespmem:s12], [sflag:$0x2] =	stream.indirect_vreg.gather [hbm4b:s8+s4], $0x80, v3, vm0, $0xb8;
	[tilespmem:$0x1E400] =	vst v63  }
0x1c0: {  	v3 =	vld [tilespmem:s26+$0x0];
	_ =	sdelay $0x4  }
0x1c1: {  	v63 =	vshrl.u32 v3, $0x3  }
0x1c2: {  	v4 =	vmul.u32 $0x30, v63  }
0x1c3: {  	v3 =	vand.u32 $0x7, v3  }
0x1c4: {  	v3 =	vor.u32 v3, v4  }
0x1c5: {  	v4 =	vperm.xlane v3, v0;
	_ =	sdelay $0x1  }
0x1c6: {  	v4 =	vadd.s32 v1, v4;
	_ =	sdelay $0x3  }
0x1c7: {  	s14 =	simm.s32 $0xF400;
	v3 =	vperm.xlane v3, v2  }
0x1c8: {  	[tilespmem:s14], [sflag:$0x2] =	stream.indirect_vreg.gather [hbm4b:s1+s4], $0x80, v4, vm0, $0xb8;
	[tilespmem:$0x1E400] =	vst v63  }
0x1c9: {  	v3 =	vadd.s32 v1, v3;
	s14 =	simm.s32 $0xFC00  }
0x1ca: {  	[tilespmem:s14], [sflag:$0x2] =	stream.indirect_vreg.gather [hbm4b:s6+s4], $0x80, v4, vm0, $0xb8;
	[tilespmem:$0x1E400] =	vst v63  }
0x1cb: {  	s14 =	simm.s32 $0x10400  }
0x1cc: {  	[tilespmem:s14], [sflag:$0x2] =	stream.indirect_vreg.gather [hbm4b:s8+s4], $0x80, v4, vm0, $0xb8;
	[tilespmem:$0x1E400] =	vst v63  }
0x1cd: {  	p0 =	sne.s32 s29, $0x8D000;
	s14 =	simm.s32 $0x10C00  }
0x1ce: {  	[tilespmem:s14], [sflag:$0x2] =	stream.indirect_vreg.gather [hbm4b:s1+s4], $0x80, v3, vm0, $0xb8;
	[tilespmem:$0x1E400] =	vst v63  }
.Ltmp0:
0x1cf: {  	s28 =	sadd.s32 $0x18000, s28;
	(pc) =	sbr.rel @p0 .LBB2_2-.Ltmp0, $4  }
0x1d0: {  	s18 =	simm.s32 $0x6400;
	s2 =	simm.s32 $0xC400;
	s14 =	simm.s32 $0x11400  }
0x1d1: {  	[tilespmem:s14], [sflag:$0x2] =	stream.indirect_vreg.gather [hbm4b:s6+s4], $0x80, v3, vm0, $0xb8;
	[tilespmem:$0x1E400] =	vst v63  }
0x1d2: {  	s29 =	sadd.s32 $0x3000, s29;
	s26 =	sadd.s32 $0x200, s26;
	s14 =	simm.s32 $0x11C00  }
0x1d3: {  	[tilespmem:s14], [sflag:$0x2] =	stream.indirect_vreg.gather [hbm4b:s8+s4], $0x80, v3, vm0, $0xb8;
	[tilespmem:$0x1E400] =	vst v63  }
0x1d4: {  	_ =	swait.ge [sflag:s7], $0x6000  }
0x1d5: {  	[sflag:s7] =	ssyncset.done $0x0  }
0x1d6: {  	s5 =	rddreg [dreg:$0xc];
	[sflag:s7] =	ssyncadd.s32 $0xFFFFA000  }
0x1d7: {  	[hbm4b:s5+s4] =	stream.linear.scatter [tilespmem:s18], [sflag:$0x5], $0x6000, $0x38;
	[tilespmem:$0x1E400] =	vst v63  }
0x1d8: {  	_ =	swait.ge [sflag:s24], $0x6000  }
0x1d9: {  	[sflag:s24] =	ssyncset.done $0x0  }
0x1da: {  	[sflag:s24] =	ssyncadd.s32 $0xFFFFA000  }
0x1db: {  	v3 =	vld [tilespmem:$0x6300];
	_ =	sdelay $0x4  }
0x1dc: {  	v4 =	vshrl.u32 v3, $0x3  }
0x1dd: {  	v4 =	vmul.u32 $0x30, v4  }
0x1de: {  	v3 =	vand.u32 $0x7, v3  }
0x1df: {  	v3 =	vor.u32 v3, v4  }
0x1e0: {  	v4 =	vperm.xlane v3, v0;
	_ =	sdelay $0x1  }
0x1e1: {  	v4 =	vadd.s32 v1, v4;
	_ =	sdelay $0x3  }
0x1e2: {  	s3 =	simm.s32 $0x12400;
	v3 =	vperm.xlane v3, v2  }
0x1e3: {  	[tilespmem:s3], [sflag:$0x3] =	stream.indirect_vreg.gather [hbm4b:s1+s4], $0x80, v4, vm0, $0xb8;
	[tilespmem:$0x1E400] =	vst v63  }
0x1e4: {  	s19 =	simm.s32 $0x12C00;
	v3 =	vadd.s32 v1, v3  }
0x1e5: {  	[tilespmem:s19], [sflag:$0x3] =	stream.indirect_vreg.gather [hbm4b:s6+s4], $0x80, v4, vm0, $0xb8;
	[tilespmem:$0x1E400] =	vst v63  }
0x1e6: {  	s26 =	simm.s32 $0x13400  }
0x1e7: {  	[tilespmem:s26], [sflag:$0x3] =	stream.indirect_vreg.gather [hbm4b:s8+s4], $0x80, v4, vm0, $0xb8;
	[tilespmem:$0x1E400] =	vst v63  }
0x1e8: {  	s9 =	simm.s32 $0x13C00  }
0x1e9: {  	[tilespmem:s9], [sflag:$0x3] =	stream.indirect_vreg.gather [hbm4b:s1+s4], $0x80, v3, vm0, $0xb8;
	[tilespmem:$0x1E400] =	vst v63  }
0x1ea: {  	s10 =	simm.s32 $0x14400  }
0x1eb: {  	[tilespmem:s10], [sflag:$0x3] =	stream.indirect_vreg.gather [hbm4b:s6+s4], $0x80, v3, vm0, $0xb8;
	[tilespmem:$0x1E400] =	vst v63  }
0x1ec: {  	s11 =	simm.s32 $0x14C00  }
0x1ed: {  	[tilespmem:s11], [sflag:$0x3] =	stream.indirect_vreg.gather [hbm4b:s8+s4], $0x80, v3, vm0, $0xb8;
	[tilespmem:$0x1E400] =	vst v63  }
0x1ee: {  	v3 =	vld [tilespmem:$0x6310];
	_ =	sdelay $0x4  }
0x1ef: {  	v61 =	vshrl.u32 v3, $0x3  }
0x1f0: {  	v4 =	vmul.u32 $0x30, v61  }
0x1f1: {  	v3 =	vand.u32 $0x7, v3  }
0x1f2: {  	v3 =	vor.u32 v3, v4  }
0x1f3: {  	v4 =	vperm.xlane v3, v0;
	_ =	sdelay $0x1  }
0x1f4: {  	v4 =	vadd.s32 v1, v4;
	_ =	sdelay $0x3  }
0x1f5: {  	s12 =	simm.s32 $0x15400;
	v3 =	vperm.xlane v3, v2  }
0x1f6: {  	[tilespmem:s12], [sflag:$0x3] =	stream.indirect_vreg.gather [hbm4b:s1+s4], $0x80, v4, vm0, $0xb8;
	[tilespmem:$0x1E400] =	vst v63  }
0x1f7: {  	s13 =	simm.s32 $0x15C00;
	v3 =	vadd.s32 v1, v3  }
0x1f8: {  	[tilespmem:s13], [sflag:$0x3] =	stream.indirect_vreg.gather [hbm4b:s6+s4], $0x80, v4, vm0, $0xb8;
	[tilespmem:$0x1E400] =	vst v63  }
0x1f9: {  	s14 =	simm.s32 $0x16400  }
0x1fa: {  	[tilespmem:s14], [sflag:$0x3] =	stream.indirect_vreg.gather [hbm4b:s8+s4], $0x80, v4, vm0, $0xb8;
	[tilespmem:$0x1E400] =	vst v63  }
0x1fb: {  	s15 =	simm.s32 $0x16C00  }
0x1fc: {  	[tilespmem:s15], [sflag:$0x3] =	stream.indirect_vreg.gather [hbm4b:s1+s4], $0x80, v3, vm0, $0xb8;
	[tilespmem:$0x1E400] =	vst v63  }
0x1fd: {  	s16 =	simm.s32 $0x17400  }
0x1fe: {  	[tilespmem:s16], [sflag:$0x3] =	stream.indirect_vreg.gather [hbm4b:s6+s4], $0x80, v3, vm0, $0xb8;
	[tilespmem:$0x1E400] =	vst v63  }
0x1ff: {  	s17 =	simm.s32 $0x17C00  }
0x200: {  	[tilespmem:s17], [sflag:$0x3] =	stream.indirect_vreg.gather [hbm4b:s8+s4], $0x80, v3, vm0, $0xb8;
	[tilespmem:$0x1E400] =	vst v63  }
0x201: {  	_ =	swait.ge [sflag:s31], $0x6000  }
0x202: {  	[sflag:s31] =	ssyncset.done $0x0  }
0x203: {  	s18 =	rddreg [dreg:$0xd];
	[sflag:s31] =	ssyncadd.s32 $0xFFFFA000  }
0x204: {  	[hbm4b:s18+s4] =	stream.linear.scatter [tilespmem:s2], [sflag:$0x6], $0x6000, $0x38;
	[tilespmem:$0x1E400] =	vst v63  }
0x205: {  	_ =	swait.ge [sflag:s25], $0x6000  }
0x206: {  	[sflag:s25] =	ssyncset.done $0x0  }
0x207: {  	[sflag:s25] =	ssyncadd.s32 $0xFFFFA000  }
0x208: {  	v3 =	vld [tilespmem:$0x6380];
	_ =	sdelay $0x4  }
0x209: {  	v62 =	vshrl.u32 v3, $0x3  }
0x20a: {  	v4 =	vmul.u32 $0x30, v62  }
0x20b: {  	v3 =	vand.u32 $0x7, v3  }
0x20c: {  	v3 =	vor.u32 v3, v4  }
0x20d: {  	v4 =	vperm.xlane v3, v0;
	_ =	sdelay $0x1  }
0x20e: {  	v4 =	vadd.s32 v1, v4;
	_ =	sdelay $0x3  }
0x20f: {  	s2 =	simm.s32 $0x18400;
	v3 =	vperm.xlane v3, v2  }
0x210: {  	[tilespmem:s2], [sflag:$0x4] =	stream.indirect_vreg.gather [hbm4b:s1+s4], $0x80, v4, vm0, $0xb8;
	[tilespmem:$0x1E400] =	vst v63  }
0x211: {  	s19 =	simm.s32 $0x18C00;
	v3 =	vadd.s32 v1, v3  }
0x212: {  	[tilespmem:s19], [sflag:$0x4] =	stream.indirect_vreg.gather [hbm4b:s6+s4], $0x80, v4, vm0, $0xb8;
	[tilespmem:$0x1E400] =	vst v63  }
0x213: {  	s26 =	simm.s32 $0x19400  }
0x214: {  	[tilespmem:s26], [sflag:$0x4] =	stream.indirect_vreg.gather [hbm4b:s8+s4], $0x80, v4, vm0, $0xb8;
	[tilespmem:$0x1E400] =	vst v63  }
0x215: {  	s9 =	simm.s32 $0x19C00  }
0x216: {  	[tilespmem:s9], [sflag:$0x4] =	stream.indirect_vreg.gather [hbm4b:s1+s4], $0x80, v3, vm0, $0xb8;
	[tilespmem:$0x1E400] =	vst v63  }
0x217: {  	s10 =	simm.s32 $0x1A400  }
0x218: {  	[tilespmem:s10], [sflag:$0x4] =	stream.indirect_vreg.gather [hbm4b:s6+s4], $0x80, v3, vm0, $0xb8;
	[tilespmem:$0x1E400] =	vst v63  }
0x219: {  	s11 =	simm.s32 $0x1AC00  }
0x21a: {  	[tilespmem:s11], [sflag:$0x4] =	stream.indirect_vreg.gather [hbm4b:s8+s4], $0x80, v3, vm0, $0xb8;
	[tilespmem:$0x1E400] =	vst v63  }
0x21b: {  	v3 =	vld [tilespmem:$0x6390];
	_ =	sdelay $0x4  }
0x21c: {  	v63 =	vshrl.u32 v3, $0x3  }
0x21d: {  	v4 =	vmul.u32 $0x30, v63  }
0x21e: {  	v3 =	vand.u32 $0x7, v3  }
0x21f: {  	v3 =	vor.u32 v3, v4  }
0x220: {  	v4 =	vperm.xlane v3, v0;
	_ =	sdelay $0x1  }
0x221: {  	v4 =	vadd.s32 v1, v4;
	_ =	sdelay $0x3  }
0x222: {  	s12 =	simm.s32 $0x1B400;
	v3 =	vperm.xlane v3, v2  }
0x223: {  	[tilespmem:s12], [sflag:$0x4] =	stream.indirect_vreg.gather [hbm4b:s1+s4], $0x80, v4, vm0, $0xb8;
	[tilespmem:$0x1E400] =	vst v63  }
0x224: {  	s13 =	simm.s32 $0x1BC00;
	v3 =	vadd.s32 v1, v3  }
0x225: {  	[tilespmem:s13], [sflag:$0x4] =	stream.indirect_vreg.gather [hbm4b:s6+s4], $0x80, v4, vm0, $0xb8;
	[tilespmem:$0x1E400] =	vst v63  }
0x226: {  	s14 =	simm.s32 $0x1C400  }
0x227: {  	[tilespmem:s14], [sflag:$0x4] =	stream.indirect_vreg.gather [hbm4b:s8+s4], $0x80, v4, vm0, $0xb8;
	[tilespmem:$0x1E400] =	vst v63  }
0x228: {  	s15 =	simm.s32 $0x1CC00  }
0x229: {  	[tilespmem:s15], [sflag:$0x4] =	stream.indirect_vreg.gather [hbm4b:s1+s4], $0x80, v3, vm0, $0xb8;
	[tilespmem:$0x1E400] =	vst v63  }
0x22a: {  	s16 =	simm.s32 $0x1D400  }
0x22b: {  	[tilespmem:s16], [sflag:$0x4] =	stream.indirect_vreg.gather [hbm4b:s6+s4], $0x80, v3, vm0, $0xb8;
	[tilespmem:$0x1E400] =	vst v63  }
0x22c: {  	s17 =	simm.s32 $0x1DC00  }
0x22d: {  	[tilespmem:s17], [sflag:$0x4] =	stream.indirect_vreg.gather [hbm4b:s8+s4], $0x80, v3, vm0, $0xb8;
	[tilespmem:$0x1E400] =	vst v63  }
0x22e: {  	_ =	swait.ge [sflag:s20], $0x6000  }
0x22f: {  	[sflag:s20] =	ssyncset.done $0x0  }
0x230: {  	s18 =	rddreg [dreg:$0xe];
	[sflag:s20] =	ssyncadd.s32 $0xFFFFA000  }
0x231: {  	[hbm4b:s18+s4] =	stream.linear.scatter [tilespmem:s3], [sflag:$0x7], $0x6000, $0x38;
	[tilespmem:$0x1E400] =	vst v63  }
0x232: {  	_ =	swait.ge [sflag:s22], $0x6000  }
0x233: {  	[sflag:s22] =	ssyncset.done $0x0  }
0x234: {  	s19 =	rddreg [dreg:$0xf];
	[sflag:s22] =	ssyncadd.s32 $0xFFFFA000  }
0x235: {  	[hbm4b:s19+s4] =	stream.linear.scatter [tilespmem:s2], [sflag:$0x8], $0x6000, $0x38;
	[tilespmem:$0x1E400] =	vst v63  }
0x236: {  	_ =	swait.ge [sflag:s21], $0x6000  }
0x237: {  	[sflag:s21] =	ssyncset.done $0x0  }
0x238: {  	[sflag:s21] =	ssyncadd.s32 $0xFFFFA000  }
0x239: {  	_ =	swait.ge [sflag:s23], $0x6000  }
0x23a: {  	[sflag:s23] =	ssyncset.done $0x0  }
0x23b: {  	[sflag:s23] =	ssyncadd.s32 $0xFFFFA000  }
0x23c: {  	_ =	swait.ge [sflag:s24], $0x6000  }
0x23d: {  	[sflag:s24] =	ssyncset.done $0x0  }
0x23e: {  	[sflag:s24] =	ssyncadd.s32 $0xFFFFA000  }
0x23f: {  	_ =	swait.ge [sflag:s25], $0x6000  }
0x240: {  	s19 =	rddreg [dreg:$0x12]  }
0x241: {  	s28 =	simm.s32 $0xE400;
	s26 =	rddreg [dreg:$0x10];
	s19 =	sadd.s32 $0x1, s19  }
0x242: {  	s29 =	simm.s32 $0xEC00;
	s9 =	simm.s32 $0x7400;
	p0 =	sne.s32 s19, s26  }
.Ltmp1:
0x243: {  	s10 =	simm.s32 $0x7C00;
	s11 =	simm.s32 $0x8400;
	(pc) =	sbr.rel @p0 .LBB2_1-.Ltmp1, $4  }
0x244: {  	s12 =	simm.s32 $0x8C00;
	s13 =	simm.s32 $0x9400;
	s14 =	simm.s32 $0x9C00  }
0x245: {  	s15 =	simm.s32 $0xA400;
	s16 =	simm.s32 $0xAC00;
	s17 =	simm.s32 $0xB400  }
0x246: {  	s3 =	simm.s32 $0xBC00;
	s18 =	simm.s32 $0xDC00;
	[sflag:s25] =	ssyncset.done $0x0  }
0x247: {  	s2 =	simm.s32 $0x11C00;
	[sflag:s25] =	ssyncadd.s32 $0xFFFFA000;
	s26 =	simm.s32 $0x6C00  }
0x248: {  	_ =	sfence.sel $0x180000  }
0x249: {  	[bflag:$0x0] =	sbarrier.arrive $0xFFFF  }
0x24a: {  	_ =	strace $0x90000047  }
0x24b: {  	s0 =	stileid.u32;
	[bflag:$0x2] =	sbarrier.arrive $0xFFFF  }
0x24c: {  	p0 =	sne.s32 s0, $0x0;
	s0 =	rddreg [dreg:$0x3]  }
0x24d: {  	s0 =	sadd.s32 @!p0 $0x100000, s0  }
0x24e: {  	[sflag:s0] =	ssyncadd.tile.s32 @!p0 $0x1;
	_ =	shalt  }
.Lfunc_end2:
_tile_overlayer_lowered:
.L_overlay_start_2:
0x24f: {  	(tag) =	ssettag $0x2  }
0x250: {  	s0 =	rddreg [dreg:$0x0];
	s2 =	stileid.u32  }
0x251: {  	s1 =	rddreg [dreg:$0x1];
	p0 =	sne.s32 s2, $0x0  }
0x252: {  	s3 =	rddreg [dreg:$0x2];
	[bflag:$0x3] =	sbarrier.arrive $0xFFFF;
	s2 =	simm.s32 @!p0 $0x1C09  }
0x253: {  	[timem:s3], [sflag:s2] =	dma.local @!p0 [hbm:s0], s1  }
0x254: {  	s0 =	simm.s32 @!p0 $0x9  }
0x255: {  	_ =	swait.ge @!p0 [sflag:s0], s1  }
0x256: {  	s1 =	ssub.s32 @!p0 $0x0, s1;
	[sflag:s0] =	ssyncset.done @!p0 $0x0  }
0x257: {  	[sflag:s0] =	ssyncadd.s32 @!p0 s1  }
0x258: {  	[bflag:$0x3] =	sbarrier.arrive $0xFFFF  }
0x259: {  	_ =	shalt  }

</sc_bundles>
